<compile_context>
chip_gen: v7x
topology: tpu7x:2x2x1
jax: 0.10.2.dev20260603
libtpu: 0.0.44.dev20260713+nightly
codegen_flags: <defaults>
</compile_context>

<pallas_src>
import functools

import jax
import jax.numpy as jnp
from jax import lax
from jax.experimental import pallas as pl
from jax.experimental.pallas import tpu as pltpu
from jax.experimental.pallas import tpu_sc as plsc

NC = 2
NS = 16
NW = NC * NS
GH = 64
GW = 64
BATCH = 256
VD = 64
PD = 64
ED = VD + PD
PLANE = GH * GW
TOTAL = BATCH * PLANE
PER_W = TOTAL // NW
CHUNK = 512
NCHUNK = PER_W // CHUNK
GSUB = 128
KSUB = CHUNK // GSUB
PLANES_PER_W = PER_W // PLANE


def _sc_body(idx_hbm, vtab_hbm, rowp_hbm, colp_hbm, out_hbm,
             idx_v, val0_v, val1_v, rowp_v, colp_v, pbuf_v,
             pos_sh, tab_sh, gsem0, gsem1, wsem0, wsem1, psem, isem):
    cid = lax.axis_index("c")
    sid = lax.axis_index("s")
    wid = sid * NC + cid
    base0 = wid * PER_W

    pltpu.async_copy(
        idx_hbm.at[pl.ds(base0 // GSUB, PER_W // GSUB)], idx_v, isem)

    @pl.when(sid == 0)
    def _stage_table():
        pltpu.sync_copy(vtab_hbm, tab_sh)

    pltpu.sync_copy(rowp_hbm, rowp_v)
    pltpu.sync_copy(colp_hbm, colp_v)

    for hh in range(GH // NS):
        h = sid * (GH // NS) + hh

        def w_body(w, _):
            pbuf_v[w, pl.ds(0, 16)] = rowp_v[h, pl.ds(0, 16)]
            pbuf_v[w, pl.ds(16, 16)] = rowp_v[h, pl.ds(16, 16)]
            pbuf_v[w, pl.ds(32, 16)] = colp_v[w, pl.ds(0, 16)]
            pbuf_v[w, pl.ds(48, 16)] = colp_v[w, pl.ds(16, 16)]
            return 0

        lax.fori_loop(0, GW, w_body, 0)
        pltpu.sync_copy(pbuf_v, pos_sh.at[pl.ds(h * GW, GW)])
    plsc.subcore_barrier()

    def pos_src(g):
        return pos_sh.at[pl.ds((g % (PLANE // CHUNK)) * CHUNK, CHUNK)]

    def pos_dst(g):
        return out_hbm.at[pl.ds(base0 + g * CHUNK, CHUNK), pl.ds(VD, PD)]

    def wait_pos(g):
        pltpu.make_async_copy(pos_src(g), pos_dst(g), psem).wait()

    def val_dst(g):
        return out_hbm.at[pl.ds(base0 + g * CHUNK, CHUNK), pl.ds(0, VD)]

    bufs = ((val0_v, gsem0, wsem0), (val1_v, gsem1, wsem1))

    def fire_gathers(g, val_v, gsem):
        for j in range(KSUB):
            pltpu.async_copy(
                tab_sh.at[idx_v.at[g * KSUB + j]],
                val_v.at[pl.ds(j * GSUB, GSUB)],
                gsem)

    def wait_gathers(val_v, gsem):
        pltpu.make_async_copy(
            tab_sh.at[pl.ds(0, CHUNK)], val_v, gsem).wait()

    def wait_write(g, val_v, wsem):
        pltpu.make_async_copy(val_v, val_dst(g), wsem).wait()

    pltpu.make_async_copy(
        idx_hbm.at[pl.ds(0, PER_W // GSUB)], idx_v, isem).wait()
    fire_gathers(0, val0_v, gsem0)

    def pair_body(t, _):
        for b in (0, 1):
            g = 2 * t + b
            val_b, gsem_b, wsem_b = bufs[b]
            val_n, gsem_n, wsem_n = bufs[1 - b]

            if b == 0:
                @pl.when(t > 0)
                def _wait_write_prev():
                    pltpu.make_async_copy(
                        val_n, val_dst(g), wsem_n).wait()
                    wait_pos(g)
                fire_gathers(g + 1, val_n, gsem_n)
            else:
                @pl.when(t < NCHUNK // 2 - 1)
                def _fire_next():
                    wait_write(g, val_n, wsem_n)
                    wait_pos(g)
                    fire_gathers(g + 1, val_n, gsem_n)

            wait_gathers(val_b, gsem_b)
            pltpu.async_copy(val_b, val_dst(g), wsem_b)
            pltpu.async_copy(pos_src(g), pos_dst(g), psem)
        return 0

    lax.fori_loop(0, NCHUNK // 2, pair_body, 0)

    wait_write(NCHUNK - 2, val0_v, wsem0)
    wait_write(NCHUNK - 1, val1_v, wsem1)
    wait_pos(NCHUNK - 2)
    wait_pos(NCHUNK - 1)


_mesh = plsc.VectorSubcoreMesh(
    core_axis_name="c", subcore_axis_name="s", num_cores=NC, num_subcores=NS)

_sc_call = functools.partial(
    pl.kernel,
    out_type=jax.ShapeDtypeStruct((TOTAL, ED), jnp.float32),
    mesh=_mesh,
    scratch_types=[
        pltpu.VMEM((PER_W // GSUB, GSUB), jnp.int32),
        pltpu.VMEM((CHUNK, VD), jnp.float32),
        pltpu.VMEM((CHUNK, VD), jnp.float32),
        pltpu.VMEM((GH, 32), jnp.float32),
        pltpu.VMEM((GW, 32), jnp.float32),
        pltpu.VMEM((GW, PD), jnp.float32),
        pltpu.VMEM_SHARED((PLANE, PD), jnp.float32),
        pltpu.VMEM_SHARED((1024, VD), jnp.float32),
        pltpu.SemaphoreType.DMA,
        pltpu.SemaphoreType.DMA,
        pltpu.SemaphoreType.DMA,
        pltpu.SemaphoreType.DMA,
        pltpu.SemaphoreType.DMA,
        pltpu.SemaphoreType.DMA,
    ],
    compiler_params=pltpu.CompilerParams(use_tc_tiling_on_sc=False),
)(_sc_body)


@jax.jit
def kernel(grid, value_embed, row_pos_embed, col_pos_embed):
    idx = grid.astype(jnp.int32).reshape(TOTAL // GSUB, GSUB)
    out = _sc_call(idx, value_embed, row_pos_embed, col_pos_embed)
    return out.reshape(BATCH, GH, GW, ED)

# --- scband reference (transcript-rebuilt; emitter-appended) ---
"""Pipeline reference for scband-learned-position-embedding-34402688041034 (READ-ONLY COPY).

The authoritative reference and input builder live on the scoring server;
editing this copy changes nothing except your own understanding.
"""

import jax, jax.numpy as jnp
import numpy as np

NUM_VALUES = 1024
EMBED_DIM = 128
GRID_H = 64
GRID_W = 64
BATCH = 256
VALUE_DIM = EMBED_DIM // 2          # 64
POS_DIM = EMBED_DIM - VALUE_DIM     # 64
ROW_POS_DIM = POS_DIM // 2          # 32
COL_POS_DIM = POS_DIM - ROW_POS_DIM # 32


def setup_inputs(seed: int = 0) -> dict:
    key = jax.random.key(seed)
    k1, k2, k3, k4 = jax.random.split(key, 4)
    grid = jax.random.randint(k1, (BATCH, GRID_H, GRID_W), 0, NUM_VALUES, dtype=jnp.int64 if jax.config.jax_enable_x64 else jnp.int32)
    value_embed = jax.random.normal(k2, (NUM_VALUES, VALUE_DIM), dtype=jnp.float32)
    row_pos_embed = jax.random.normal(k3, (GRID_H, ROW_POS_DIM), dtype=jnp.float32)
    col_pos_embed = jax.random.normal(k4, (GRID_W, COL_POS_DIM), dtype=jnp.float32)
    return {
        "grid": grid,
        "value_embed": value_embed,
        "row_pos_embed": row_pos_embed,
        "col_pos_embed": col_pos_embed,
    }


def reference(grid, value_embed, row_pos_embed, col_pos_embed):
    batch_size, h, w = grid.shape
    # value embedding lookup: (B, H, W, value_dim)
    val_emb = jnp.take(value_embed, grid, axis=0)
    # learned position embeddings
    row_indices = jnp.broadcast_to(jnp.arange(h)[:, None], (h, w))
    col_indices = jnp.broadcast_to(jnp.arange(w)[None, :], (h, w))
    row_emb = jnp.take(row_pos_embed, row_indices, axis=0)  # (H, W, row_pos_dim)
    col_emb = jnp.take(col_pos_embed, col_indices, axis=0)  # (H, W, col_pos_dim)
    pos_emb = jnp.concatenate([row_emb, col_emb], axis=-1)  # (H, W, pos_dim)
    pos_emb = jnp.broadcast_to(pos_emb[None, :, :, :], (batch_size, h, w, pos_emb.shape[-1]))
    embedding = jnp.concatenate([val_emb, pos_emb], axis=-1)  # (B, H, W, embed_dim)
    return embedding

if __name__ == "__main__":
    import jax
    _d = setup_inputs()
    print(jax.jit(kernel)(*tuple(_d.values())))

</pallas_src>

<mosaic_0001>
#map = affine_map<(d0, d1) -> (0, 0)>
module attributes {stable_mosaic.version = 14 : i64} {
  func.func @_sc_body(%arg0: i32, %arg1: i32, %arg2: memref<8192x128xi32, #tpu.memory_space<hbm>>, %arg3: memref<1024x64xf32, #tpu.memory_space<hbm>>, %arg4: memref<64x32xf32, #tpu.memory_space<hbm>>, %arg5: memref<64x32xf32, #tpu.memory_space<hbm>>, %arg6: memref<1048576x128xf32, #tpu.memory_space<hbm>>, %arg7: memref<256x128xi32, #tpu.memory_space<vmem>>, %arg8: memref<512x64xf32, #tpu.memory_space<vmem>>, %arg9: memref<512x64xf32, #tpu.memory_space<vmem>>, %arg10: memref<64x32xf32, #tpu.memory_space<vmem>>, %arg11: memref<64x32xf32, #tpu.memory_space<vmem>>, %arg12: memref<64x64xf32, #tpu.memory_space<vmem>>, %arg13: memref<4096x64xf32, #tpu.memory_space<vmem_shared>>, %arg14: memref<1024x64xf32, #tpu.memory_space<vmem_shared>>, %arg15: memref<!tpu.dma_semaphore, #tpu.memory_space<semaphore_mem>>, %arg16: memref<!tpu.dma_semaphore, #tpu.memory_space<semaphore_mem>>, %arg17: memref<!tpu.dma_semaphore, #tpu.memory_space<semaphore_mem>>, %arg18: memref<!tpu.dma_semaphore, #tpu.memory_space<semaphore_mem>>, %arg19: memref<!tpu.dma_semaphore, #tpu.memory_space<semaphore_mem>>, %arg20: memref<!tpu.dma_semaphore, #tpu.memory_space<semaphore_mem>>) attributes {dimension_semantics = [#tpu.dimension_semantics<core_parallel>, #tpu.dimension_semantics<subcore_parallel>], iteration_bounds = array<i64: 2, 16>, scalar_prefetch = 0 : i64, scratch_operands = 14 : i64, tpu.core_type = #tpu.core_type<sc_vector_subcore>, window_params = [{transform_indices = #map}, {transform_indices = #map}, {transform_indices = #map}, {transform_indices = #map}, {transform_indices = #map}]} {
    %mul3A = arith.constant 2 : i32
    %mul3A_0 = arith.muli %arg1, %mul3A : i32
    %add3A = arith.addi %mul3A_0, %arg0 : i32
    %mul3A_1 = arith.constant 32768 : i32
    %mul3A_2 = arith.muli %add3A, %mul3A_1 : i32
    %jit3A = arith.constant 128 : i32
    %div3A = arith.divsi %mul3A_2, %jit3A : i32
    %sign3A = arith.constant 0 : i32
    %sign3A_3 = arith.cmpi sgt, %mul3A_2, %sign3A : i32
    %sign3A_4 = arith.extui %sign3A_3 : i1 to i32
    %sign3A_5 = arith.constant 0 : i32
    %sign3A_6 = arith.cmpi slt, %mul3A_2, %sign3A_5 : i32
    %sign3A_7 = arith.extui %sign3A_6 : i1 to i32
    %sign3A_8 = arith.subi %sign3A_4, %sign3A_7 : i32
    %sign3A_9 = arith.constant 0 : i32
    %sign3A_10 = arith.cmpi sgt, %jit3A, %sign3A_9 : i32
    %sign3A_11 = arith.extui %sign3A_10 : i1 to i32
    %sign3A_12 = arith.constant 0 : i32
    %sign3A_13 = arith.cmpi slt, %jit3A, %sign3A_12 : i32
    %sign3A_14 = arith.extui %sign3A_13 : i1 to i32
    %sign3A_15 = arith.subi %sign3A_11, %sign3A_14 : i32
    %ne3A = arith.cmpi ne, %sign3A_8, %sign3A_15 : i32
    %rem3A = arith.remsi %mul3A_2, %jit3A : i32
    %ne3A_16 = arith.constant 0 : i32
    %ne3A_17 = arith.cmpi ne, %rem3A, %ne3A_16 : i32
    %and3A = arith.andi %ne3A, %ne3A_17 : i1
    %sub3A = arith.constant 1 : i32
    %sub3A_18 = arith.subi %div3A, %sub3A : i32
    %select_n3A = arith.select %and3A, %sub3A_18, %div3A : i32
    %dma_start3A = arith.constant 0 : i32
    %dma_start3A_19 = tpu.memref_slice %arg2[%select_n3A, %dma_start3A] : memref<8192x128xi32, #tpu.memory_space<hbm>> -> memref<256x128xi32, #tpu.memory_space<hbm>>
    %dma_start3A_20 = arith.constant 0 : i32
    %dma_start3A_21 = tpu.memref_slice %arg2[%select_n3A, %dma_start3A_20] : memref<8192x128xi32, #tpu.memory_space<hbm>> -> memref<256x128xi32, #tpu.memory_space<hbm>>
    tpu.enqueue_dma source(%dma_start3A_21 : memref<256x128xi32, #tpu.memory_space<hbm>>) target(%arg7 : memref<256x128xi32, #tpu.memory_space<vmem>>) target_semaphore(%arg20 : memref<!tpu.dma_semaphore, #tpu.memory_space<semaphore_mem>>)
    %eq3A = arith.constant 0 : i32
    %eq3A_22 = arith.cmpi eq, %arg1, %eq3A : i32
    %convert_element_type3A = arith.extui %eq3A_22 : i1 to i32
    %cond3A = arith.constant 0 : i32
    %cond3A_23 = arith.cmpi ne, %convert_element_type3A, %cond3A : i32
    scf.if %cond3A_23 {
      "tpu.region"() ({
        %run_scoped3A = tpu.sem_alloc : memref<!tpu.dma_semaphore, #tpu.memory_space<semaphore_mem>>
        tpu.enqueue_dma source(%arg3 : memref<1024x64xf32, #tpu.memory_space<hbm>>) target(%arg14 : memref<1024x64xf32, #tpu.memory_space<vmem_shared>>) target_semaphore(%run_scoped3A : memref<!tpu.dma_semaphore, #tpu.memory_space<semaphore_mem>>)
        tpu.wait_dma2 semaphore(%run_scoped3A : memref<!tpu.dma_semaphore, #tpu.memory_space<semaphore_mem>>) src(%arg3 : memref<1024x64xf32, #tpu.memory_space<hbm>>) dst(%arg14 : memref<1024x64xf32, #tpu.memory_space<vmem_shared>>)
        tpu.yield
      }) : () -> ()
    } else {
    }
    "tpu.region"() ({
      %run_scoped3A = tpu.sem_alloc : memref<!tpu.dma_semaphore, #tpu.memory_space<semaphore_mem>>
      tpu.enqueue_dma source(%arg4 : memref<64x32xf32, #tpu.memory_space<hbm>>) target(%arg10 : memref<64x32xf32, #tpu.memory_space<vmem>>) target_semaphore(%run_scoped3A : memref<!tpu.dma_semaphore, #tpu.memory_space<semaphore_mem>>)
      tpu.wait_dma2 semaphore(%run_scoped3A : memref<!tpu.dma_semaphore, #tpu.memory_space<semaphore_mem>>) src(%arg4 : memref<64x32xf32, #tpu.memory_space<hbm>>) dst(%arg10 : memref<64x32xf32, #tpu.memory_space<vmem>>)
      tpu.yield
    }) : () -> ()
    "tpu.region"() ({
      %run_scoped3A = tpu.sem_alloc : memref<!tpu.dma_semaphore, #tpu.memory_space<semaphore_mem>>
      tpu.enqueue_dma source(%arg5 : memref<64x32xf32, #tpu.memory_space<hbm>>) target(%arg11 : memref<64x32xf32, #tpu.memory_space<vmem>>) target_semaphore(%run_scoped3A : memref<!tpu.dma_semaphore, #tpu.memory_space<semaphore_mem>>)
      tpu.wait_dma2 semaphore(%run_scoped3A : memref<!tpu.dma_semaphore, #tpu.memory_space<semaphore_mem>>) src(%arg5 : memref<64x32xf32, #tpu.memory_space<hbm>>) dst(%arg11 : memref<64x32xf32, #tpu.memory_space<vmem>>)
      tpu.yield
    }) : () -> ()
    %mul3A_24 = arith.constant 4 : i32
    %mul3A_25 = arith.muli %arg1, %mul3A_24 : i32
    %add3A_26 = arith.constant 0 : i32
    %add3A_27 = arith.addi %mul3A_25, %add3A_26 : i32
    %scan3A = arith.constant 0 : i32
    %scan3A_28 = arith.constant 0 : i32
    %scan3A_29 = arith.constant 64 : i32
    %scan3A_30 = arith.addi %scan3A_28, %scan3A_29 : i32
    %scan3A_31 = arith.constant 1 : i32
    %scan3A_32 = scf.for %scan3A_153 = %scan3A_28 to %scan3A_30 step %scan3A_31 iter_args(%scan3A_154 = %scan3A) -> (i32)  : i32 {
      %get3A = arith.index_cast %add3A_27 : i32 to index
      %get3A_155 = arith.constant 0 : index
      %get3A_156 = tpu.vector_load %arg10[%get3A, %get3A_155] {strides = array<i32>} : memref<64x32xf32, #tpu.memory_space<vmem>>, vector<1x16xf32>,
      %get3A_157 = vector.shape_cast %get3A_156 : vector<1x16xf32> to vector<16xf32>
      %swap3A = arith.index_cast %scan3A_153 : i32 to index
      %swap3A_158 = arith.constant 0 : index
      %swap3A_159 = tpu.vector_load %arg12[%swap3A, %swap3A_158] {strides = array<i32>} : memref<64x64xf32, #tpu.memory_space<vmem>>, vector<1x16xf32>,
      %swap3A_160 = vector.shape_cast %swap3A_159 : vector<1x16xf32> to vector<16xf32>
      %swap3A_161 = vector.shape_cast %get3A_157 : vector<16xf32> to vector<1x16xf32>
      tpu.vector_store %arg12[%swap3A, %swap3A_158], %swap3A_161 {strides = array<i32>} : memref<64x64xf32, #tpu.memory_space<vmem>>, vector<1x16xf32>,
      %get3A_162 = arith.index_cast %add3A_27 : i32 to index
      %get3A_163 = arith.constant 16 : index
      %get3A_164 = tpu.vector_load %arg10[%get3A_162, %get3A_163] {strides = array<i32>} : memref<64x32xf32, #tpu.memory_space<vmem>>, vector<1x16xf32>,
      %get3A_165 = vector.shape_cast %get3A_164 : vector<1x16xf32> to vector<16xf32>
      %swap3A_166 = arith.index_cast %scan3A_153 : i32 to index
      %swap3A_167 = arith.constant 16 : index
      %swap3A_168 = tpu.vector_load %arg12[%swap3A_166, %swap3A_167] {strides = array<i32>} : memref<64x64xf32, #tpu.memory_space<vmem>>, vector<1x16xf32>,
      %swap3A_169 = vector.shape_cast %swap3A_168 : vector<1x16xf32> to vector<16xf32>
      %swap3A_170 = vector.shape_cast %get3A_165 : vector<16xf32> to vector<1x16xf32>
      tpu.vector_store %arg12[%swap3A_166, %swap3A_167], %swap3A_170 {strides = array<i32>} : memref<64x64xf32, #tpu.memory_space<vmem>>, vector<1x16xf32>,
      %get3A_171 = arith.index_cast %scan3A_153 : i32 to index
      %get3A_172 = arith.constant 0 : index
      %get3A_173 = tpu.vector_load %arg11[%get3A_171, %get3A_172] {strides = array<i32>} : memref<64x32xf32, #tpu.memory_space<vmem>>, vector<1x16xf32>,
      %get3A_174 = vector.shape_cast %get3A_173 : vector<1x16xf32> to vector<16xf32>
      %swap3A_175 = arith.index_cast %scan3A_153 : i32 to index
      %swap3A_176 = arith.constant 32 : index
      %swap3A_177 = tpu.vector_load %arg12[%swap3A_175, %swap3A_176] {strides = array<i32>} : memref<64x64xf32, #tpu.memory_space<vmem>>, vector<1x16xf32>,
      %swap3A_178 = vector.shape_cast %swap3A_177 : vector<1x16xf32> to vector<16xf32>
      %swap3A_179 = vector.shape_cast %get3A_174 : vector<16xf32> to vector<1x16xf32>
      tpu.vector_store %arg12[%swap3A_175, %swap3A_176], %swap3A_179 {strides = array<i32>} : memref<64x64xf32, #tpu.memory_space<vmem>>, vector<1x16xf32>,
      %get3A_180 = arith.index_cast %scan3A_153 : i32 to index
      %get3A_181 = arith.constant 16 : index
      %get3A_182 = tpu.vector_load %arg11[%get3A_180, %get3A_181] {strides = array<i32>} : memref<64x32xf32, #tpu.memory_space<vmem>>, vector<1x16xf32>,
      %get3A_183 = vector.shape_cast %get3A_182 : vector<1x16xf32> to vector<16xf32>
      %swap3A_184 = arith.index_cast %scan3A_153 : i32 to index
      %swap3A_185 = arith.constant 48 : index
      %swap3A_186 = tpu.vector_load %arg12[%swap3A_184, %swap3A_185] {strides = array<i32>} : memref<64x64xf32, #tpu.memory_space<vmem>>, vector<1x16xf32>,
      %swap3A_187 = vector.shape_cast %swap3A_186 : vector<1x16xf32> to vector<16xf32>
      %swap3A_188 = vector.shape_cast %get3A_183 : vector<16xf32> to vector<1x16xf32>
      tpu.vector_store %arg12[%swap3A_184, %swap3A_185], %swap3A_188 {strides = array<i32>} : memref<64x64xf32, #tpu.memory_space<vmem>>, vector<1x16xf32>,
      %scan3A_189 = arith.constant 0 : i32
      scf.yield %scan3A_189 : i32
    }
    %scan3A_33 = arith.constant 64 : i32
    %mul3A_34 = arith.constant 64 : i32
    %mul3A_35 = arith.muli %add3A_27, %mul3A_34 : i32
    "tpu.region"() ({
      %run_scoped3A = tpu.sem_alloc : memref<!tpu.dma_semaphore, #tpu.memory_space<semaphore_mem>>
      %dma_start3A_153 = arith.constant 0 : i32
      %dma_start3A_154 = tpu.memref_slice %arg13[%mul3A_35, %dma_start3A_153] : memref<4096x64xf32, #tpu.memory_space<vmem_shared>> -> memref<64x64xf32, #tpu.memory_space<vmem_shared>>
      %dma_start3A_155 = arith.constant 0 : i32
      %dma_start3A_156 = tpu.memref_slice %arg13[%mul3A_35, %dma_start3A_155] : memref<4096x64xf32, #tpu.memory_space<vmem_shared>> -> memref<64x64xf32, #tpu.memory_space<vmem_shared>>
      tpu.enqueue_dma source(%arg12 : memref<64x64xf32, #tpu.memory_space<vmem>>) target(%dma_start3A_156 : memref<64x64xf32, #tpu.memory_space<vmem_shared>>) target_semaphore(%run_scoped3A : memref<!tpu.dma_semaphore, #tpu.memory_space<semaphore_mem>>)
      %dma_wait3A_157 = arith.constant 0 : i32
      %dma_wait3A_158 = tpu.memref_slice %arg13[%mul3A_35, %dma_wait3A_157] : memref<4096x64xf32, #tpu.memory_space<vmem_shared>> -> memref<64x64xf32, #tpu.memory_space<vmem_shared>>
      %dma_wait3A_159 = arith.constant 0 : i32
      %dma_wait3A_160 = tpu.memref_slice %arg13[%mul3A_35, %dma_wait3A_159] : memref<4096x64xf32, #tpu.memory_space<vmem_shared>> -> memref<64x64xf32, #tpu.memory_space<vmem_shared>>
      tpu.wait_dma2 semaphore(%run_scoped3A : memref<!tpu.dma_semaphore, #tpu.memory_space<semaphore_mem>>) src(%arg12 : memref<64x64xf32, #tpu.memory_space<vmem>>) dst(%dma_wait3A_160 : memref<64x64xf32, #tpu.memory_space<vmem_shared>>)
      tpu.yield
    }) : () -> ()
    %mul3A_36 = arith.constant 4 : i32
    %mul3A_37 = arith.muli %arg1, %mul3A_36 : i32
    %add3A_38 = arith.constant 1 : i32
    %add3A_39 = arith.addi %mul3A_37, %add3A_38 : i32
    %scan3A_40 = arith.constant 0 : i32
    %scan3A_41 = arith.constant 0 : i32
    %scan3A_42 = arith.constant 64 : i32
    %scan3A_43 = arith.addi %scan3A_41, %scan3A_42 : i32
    %scan3A_44 = arith.constant 1 : i32
    %scan3A_45 = scf.for %scan3A_153 = %scan3A_41 to %scan3A_43 step %scan3A_44 iter_args(%scan3A_154 = %scan3A_40) -> (i32)  : i32 {
      %get3A = arith.index_cast %add3A_39 : i32 to index
      %get3A_155 = arith.constant 0 : index
      %get3A_156 = tpu.vector_load %arg10[%get3A, %get3A_155] {strides = array<i32>} : memref<64x32xf32, #tpu.memory_space<vmem>>, vector<1x16xf32>,
      %get3A_157 = vector.shape_cast %get3A_156 : vector<1x16xf32> to vector<16xf32>
      %swap3A = arith.index_cast %scan3A_153 : i32 to index
      %swap3A_158 = arith.constant 0 : index
      %swap3A_159 = tpu.vector_load %arg12[%swap3A, %swap3A_158] {strides = array<i32>} : memref<64x64xf32, #tpu.memory_space<vmem>>, vector<1x16xf32>,
      %swap3A_160 = vector.shape_cast %swap3A_159 : vector<1x16xf32> to vector<16xf32>
      %swap3A_161 = vector.shape_cast %get3A_157 : vector<16xf32> to vector<1x16xf32>
      tpu.vector_store %arg12[%swap3A, %swap3A_158], %swap3A_161 {strides = array<i32>} : memref<64x64xf32, #tpu.memory_space<vmem>>, vector<1x16xf32>,
      %get3A_162 = arith.index_cast %add3A_39 : i32 to index
      %get3A_163 = arith.constant 16 : index
      %get3A_164 = tpu.vector_load %arg10[%get3A_162, %get3A_163] {strides = array<i32>} : memref<64x32xf32, #tpu.memory_space<vmem>>, vector<1x16xf32>,
      %get3A_165 = vector.shape_cast %get3A_164 : vector<1x16xf32> to vector<16xf32>
      %swap3A_166 = arith.index_cast %scan3A_153 : i32 to index
      %swap3A_167 = arith.constant 16 : index
      %swap3A_168 = tpu.vector_load %arg12[%swap3A_166, %swap3A_167] {strides = array<i32>} : memref<64x64xf32, #tpu.memory_space<vmem>>, vector<1x16xf32>,
      %swap3A_169 = vector.shape_cast %swap3A_168 : vector<1x16xf32> to vector<16xf32>
      %swap3A_170 = vector.shape_cast %get3A_165 : vector<16xf32> to vector<1x16xf32>
      tpu.vector_store %arg12[%swap3A_166, %swap3A_167], %swap3A_170 {strides = array<i32>} : memref<64x64xf32, #tpu.memory_space<vmem>>, vector<1x16xf32>,
      %get3A_171 = arith.index_cast %scan3A_153 : i32 to index
      %get3A_172 = arith.constant 0 : index
      %get3A_173 = tpu.vector_load %arg11[%get3A_171, %get3A_172] {strides = array<i32>} : memref<64x32xf32, #tpu.memory_space<vmem>>, vector<1x16xf32>,
      %get3A_174 = vector.shape_cast %get3A_173 : vector<1x16xf32> to vector<16xf32>
      %swap3A_175 = arith.index_cast %scan3A_153 : i32 to index
      %swap3A_176 = arith.constant 32 : index
      %swap3A_177 = tpu.vector_load %arg12[%swap3A_175, %swap3A_176] {strides = array<i32>} : memref<64x64xf32, #tpu.memory_space<vmem>>, vector<1x16xf32>,
      %swap3A_178 = vector.shape_cast %swap3A_177 : vector<1x16xf32> to vector<16xf32>
      %swap3A_179 = vector.shape_cast %get3A_174 : vector<16xf32> to vector<1x16xf32>
      tpu.vector_store %arg12[%swap3A_175, %swap3A_176], %swap3A_179 {strides = array<i32>} : memref<64x64xf32, #tpu.memory_space<vmem>>, vector<1x16xf32>,
      %get3A_180 = arith.index_cast %scan3A_153 : i32 to index
      %get3A_181 = arith.constant 16 : index
      %get3A_182 = tpu.vector_load %arg11[%get3A_180, %get3A_181] {strides = array<i32>} : memref<64x32xf32, #tpu.memory_space<vmem>>, vector<1x16xf32>,
      %get3A_183 = vector.shape_cast %get3A_182 : vector<1x16xf32> to vector<16xf32>
      %swap3A_184 = arith.index_cast %scan3A_153 : i32 to index
      %swap3A_185 = arith.constant 48 : index
      %swap3A_186 = tpu.vector_load %arg12[%swap3A_184, %swap3A_185] {strides = array<i32>} : memref<64x64xf32, #tpu.memory_space<vmem>>, vector<1x16xf32>,
      %swap3A_187 = vector.shape_cast %swap3A_186 : vector<1x16xf32> to vector<16xf32>
      %swap3A_188 = vector.shape_cast %get3A_183 : vector<16xf32> to vector<1x16xf32>
      tpu.vector_store %arg12[%swap3A_184, %swap3A_185], %swap3A_188 {strides = array<i32>} : memref<64x64xf32, #tpu.memory_space<vmem>>, vector<1x16xf32>,
      %scan3A_189 = arith.constant 0 : i32
      scf.yield %scan3A_189 : i32
    }
    %scan3A_46 = arith.constant 64 : i32
    %mul3A_47 = arith.constant 64 : i32
    %mul3A_48 = arith.muli %add3A_39, %mul3A_47 : i32
    "tpu.region"() ({
      %run_scoped3A = tpu.sem_alloc : memref<!tpu.dma_semaphore, #tpu.memory_space<semaphore_mem>>
      %dma_start3A_153 = arith.constant 0 : i32
      %dma_start3A_154 = tpu.memref_slice %arg13[%mul3A_48, %dma_start3A_153] : memref<4096x64xf32, #tpu.memory_space<vmem_shared>> -> memref<64x64xf32, #tpu.memory_space<vmem_shared>>
      %dma_start3A_155 = arith.constant 0 : i32
      %dma_start3A_156 = tpu.memref_slice %arg13[%mul3A_48, %dma_start3A_155] : memref<4096x64xf32, #tpu.memory_space<vmem_shared>> -> memref<64x64xf32, #tpu.memory_space<vmem_shared>>
      tpu.enqueue_dma source(%arg12 : memref<64x64xf32, #tpu.memory_space<vmem>>) target(%dma_start3A_156 : memref<64x64xf32, #tpu.memory_space<vmem_shared>>) target_semaphore(%run_scoped3A : memref<!tpu.dma_semaphore, #tpu.memory_space<semaphore_mem>>)
      %dma_wait3A_157 = arith.constant 0 : i32
      %dma_wait3A_158 = tpu.memref_slice %arg13[%mul3A_48, %dma_wait3A_157] : memref<4096x64xf32, #tpu.memory_space<vmem_shared>> -> memref<64x64xf32, #tpu.memory_space<vmem_shared>>
      %dma_wait3A_159 = arith.constant 0 : i32
      %dma_wait3A_160 = tpu.memref_slice %arg13[%mul3A_48, %dma_wait3A_159] : memref<4096x64xf32, #tpu.memory_space<vmem_shared>> -> memref<64x64xf32, #tpu.memory_space<vmem_shared>>
      tpu.wait_dma2 semaphore(%run_scoped3A : memref<!tpu.dma_semaphore, #tpu.memory_space<semaphore_mem>>) src(%arg12 : memref<64x64xf32, #tpu.memory_space<vmem>>) dst(%dma_wait3A_160 : memref<64x64xf32, #tpu.memory_space<vmem_shared>>)
      tpu.yield
    }) : () -> ()
    %mul3A_49 = arith.constant 4 : i32
    %mul3A_50 = arith.muli %arg1, %mul3A_49 : i32
    %add3A_51 = arith.constant 2 : i32
    %add3A_52 = arith.addi %mul3A_50, %add3A_51 : i32
    %scan3A_53 = arith.constant 0 : i32
    %scan3A_54 = arith.constant 0 : i32
    %scan3A_55 = arith.constant 64 : i32
    %scan3A_56 = arith.addi %scan3A_54, %scan3A_55 : i32
    %scan3A_57 = arith.constant 1 : i32
    %scan3A_58 = scf.for %scan3A_153 = %scan3A_54 to %scan3A_56 step %scan3A_57 iter_args(%scan3A_154 = %scan3A_53) -> (i32)  : i32 {
      %get3A = arith.index_cast %add3A_52 : i32 to index
      %get3A_155 = arith.constant 0 : index
      %get3A_156 = tpu.vector_load %arg10[%get3A, %get3A_155] {strides = array<i32>} : memref<64x32xf32, #tpu.memory_space<vmem>>, vector<1x16xf32>,
      %get3A_157 = vector.shape_cast %get3A_156 : vector<1x16xf32> to vector<16xf32>
      %swap3A = arith.index_cast %scan3A_153 : i32 to index
      %swap3A_158 = arith.constant 0 : index
      %swap3A_159 = tpu.vector_load %arg12[%swap3A, %swap3A_158] {strides = array<i32>} : memref<64x64xf32, #tpu.memory_space<vmem>>, vector<1x16xf32>,
      %swap3A_160 = vector.shape_cast %swap3A_159 : vector<1x16xf32> to vector<16xf32>
      %swap3A_161 = vector.shape_cast %get3A_157 : vector<16xf32> to vector<1x16xf32>
      tpu.vector_store %arg12[%swap3A, %swap3A_158], %swap3A_161 {strides = array<i32>} : memref<64x64xf32, #tpu.memory_space<vmem>>, vector<1x16xf32>,
      %get3A_162 = arith.index_cast %add3A_52 : i32 to index
      %get3A_163 = arith.constant 16 : index
      %get3A_164 = tpu.vector_load %arg10[%get3A_162, %get3A_163] {strides = array<i32>} : memref<64x32xf32, #tpu.memory_space<vmem>>, vector<1x16xf32>,
      %get3A_165 = vector.shape_cast %get3A_164 : vector<1x16xf32> to vector<16xf32>
      %swap3A_166 = arith.index_cast %scan3A_153 : i32 to index
      %swap3A_167 = arith.constant 16 : index
      %swap3A_168 = tpu.vector_load %arg12[%swap3A_166, %swap3A_167] {strides = array<i32>} : memref<64x64xf32, #tpu.memory_space<vmem>>, vector<1x16xf32>,
      %swap3A_169 = vector.shape_cast %swap3A_168 : vector<1x16xf32> to vector<16xf32>
      %swap3A_170 = vector.shape_cast %get3A_165 : vector<16xf32> to vector<1x16xf32>
      tpu.vector_store %arg12[%swap3A_166, %swap3A_167], %swap3A_170 {strides = array<i32>} : memref<64x64xf32, #tpu.memory_space<vmem>>, vector<1x16xf32>,
      %get3A_171 = arith.index_cast %scan3A_153 : i32 to index
      %get3A_172 = arith.constant 0 : index
      %get3A_173 = tpu.vector_load %arg11[%get3A_171, %get3A_172] {strides = array<i32>} : memref<64x32xf32, #tpu.memory_space<vmem>>, vector<1x16xf32>,
      %get3A_174 = vector.shape_cast %get3A_173 : vector<1x16xf32> to vector<16xf32>
      %swap3A_175 = arith.index_cast %scan3A_153 : i32 to index
      %swap3A_176 = arith.constant 32 : index
      %swap3A_177 = tpu.vector_load %arg12[%swap3A_175, %swap3A_176] {strides = array<i32>} : memref<64x64xf32, #tpu.memory_space<vmem>>, vector<1x16xf32>,
      %swap3A_178 = vector.shape_cast %swap3A_177 : vector<1x16xf32> to vector<16xf32>
      %swap3A_179 = vector.shape_cast %get3A_174 : vector<16xf32> to vector<1x16xf32>
      tpu.vector_store %arg12[%swap3A_175, %swap3A_176], %swap3A_179 {strides = array<i32>} : memref<64x64xf32, #tpu.memory_space<vmem>>, vector<1x16xf32>,
      %get3A_180 = arith.index_cast %scan3A_153 : i32 to index
      %get3A_181 = arith.constant 16 : index
      %get3A_182 = tpu.vector_load %arg11[%get3A_180, %get3A_181] {strides = array<i32>} : memref<64x32xf32, #tpu.memory_space<vmem>>, vector<1x16xf32>,
      %get3A_183 = vector.shape_cast %get3A_182 : vector<1x16xf32> to vector<16xf32>
      %swap3A_184 = arith.index_cast %scan3A_153 : i32 to index
      %swap3A_185 = arith.constant 48 : index
      %swap3A_186 = tpu.vector_load %arg12[%swap3A_184, %swap3A_185] {strides = array<i32>} : memref<64x64xf32, #tpu.memory_space<vmem>>, vector<1x16xf32>,
      %swap3A_187 = vector.shape_cast %swap3A_186 : vector<1x16xf32> to vector<16xf32>
      %swap3A_188 = vector.shape_cast %get3A_183 : vector<16xf32> to vector<1x16xf32>
      tpu.vector_store %arg12[%swap3A_184, %swap3A_185], %swap3A_188 {strides = array<i32>} : memref<64x64xf32, #tpu.memory_space<vmem>>, vector<1x16xf32>,
      %scan3A_189 = arith.constant 0 : i32
      scf.yield %scan3A_189 : i32
    }
    %scan3A_59 = arith.constant 64 : i32
    %mul3A_60 = arith.constant 64 : i32
    %mul3A_61 = arith.muli %add3A_52, %mul3A_60 : i32
    "tpu.region"() ({
      %run_scoped3A = tpu.sem_alloc : memref<!tpu.dma_semaphore, #tpu.memory_space<semaphore_mem>>
      %dma_start3A_153 = arith.constant 0 : i32
      %dma_start3A_154 = tpu.memref_slice %arg13[%mul3A_61, %dma_start3A_153] : memref<4096x64xf32, #tpu.memory_space<vmem_shared>> -> memref<64x64xf32, #tpu.memory_space<vmem_shared>>
      %dma_start3A_155 = arith.constant 0 : i32
      %dma_start3A_156 = tpu.memref_slice %arg13[%mul3A_61, %dma_start3A_155] : memref<4096x64xf32, #tpu.memory_space<vmem_shared>> -> memref<64x64xf32, #tpu.memory_space<vmem_shared>>
      tpu.enqueue_dma source(%arg12 : memref<64x64xf32, #tpu.memory_space<vmem>>) target(%dma_start3A_156 : memref<64x64xf32, #tpu.memory_space<vmem_shared>>) target_semaphore(%run_scoped3A : memref<!tpu.dma_semaphore, #tpu.memory_space<semaphore_mem>>)
      %dma_wait3A_157 = arith.constant 0 : i32
      %dma_wait3A_158 = tpu.memref_slice %arg13[%mul3A_61, %dma_wait3A_157] : memref<4096x64xf32, #tpu.memory_space<vmem_shared>> -> memref<64x64xf32, #tpu.memory_space<vmem_shared>>
      %dma_wait3A_159 = arith.constant 0 : i32
      %dma_wait3A_160 = tpu.memref_slice %arg13[%mul3A_61, %dma_wait3A_159] : memref<4096x64xf32, #tpu.memory_space<vmem_shared>> -> memref<64x64xf32, #tpu.memory_space<vmem_shared>>
      tpu.wait_dma2 semaphore(%run_scoped3A : memref<!tpu.dma_semaphore, #tpu.memory_space<semaphore_mem>>) src(%arg12 : memref<64x64xf32, #tpu.memory_space<vmem>>) dst(%dma_wait3A_160 : memref<64x64xf32, #tpu.memory_space<vmem_shared>>)
      tpu.yield
    }) : () -> ()
    %mul3A_62 = arith.constant 4 : i32
    %mul3A_63 = arith.muli %arg1, %mul3A_62 : i32
    %add3A_64 = arith.constant 3 : i32
    %add3A_65 = arith.addi %mul3A_63, %add3A_64 : i32
    %scan3A_66 = arith.constant 0 : i32
    %scan3A_67 = arith.constant 0 : i32
    %scan3A_68 = arith.constant 64 : i32
    %scan3A_69 = arith.addi %scan3A_67, %scan3A_68 : i32
    %scan3A_70 = arith.constant 1 : i32
    %scan3A_71 = scf.for %scan3A_153 = %scan3A_67 to %scan3A_69 step %scan3A_70 iter_args(%scan3A_154 = %scan3A_66) -> (i32)  : i32 {
      %get3A = arith.index_cast %add3A_65 : i32 to index
      %get3A_155 = arith.constant 0 : index
      %get3A_156 = tpu.vector_load %arg10[%get3A, %get3A_155] {strides = array<i32>} : memref<64x32xf32, #tpu.memory_space<vmem>>, vector<1x16xf32>,
      %get3A_157 = vector.shape_cast %get3A_156 : vector<1x16xf32> to vector<16xf32>
      %swap3A = arith.index_cast %scan3A_153 : i32 to index
      %swap3A_158 = arith.constant 0 : index
      %swap3A_159 = tpu.vector_load %arg12[%swap3A, %swap3A_158] {strides = array<i32>} : memref<64x64xf32, #tpu.memory_space<vmem>>, vector<1x16xf32>,
      %swap3A_160 = vector.shape_cast %swap3A_159 : vector<1x16xf32> to vector<16xf32>
      %swap3A_161 = vector.shape_cast %get3A_157 : vector<16xf32> to vector<1x16xf32>
      tpu.vector_store %arg12[%swap3A, %swap3A_158], %swap3A_161 {strides = array<i32>} : memref<64x64xf32, #tpu.memory_space<vmem>>, vector<1x16xf32>,
      %get3A_162 = arith.index_cast %add3A_65 : i32 to index
      %get3A_163 = arith.constant 16 : index
      %get3A_164 = tpu.vector_load %arg10[%get3A_162, %get3A_163] {strides = array<i32>} : memref<64x32xf32, #tpu.memory_space<vmem>>, vector<1x16xf32>,
      %get3A_165 = vector.shape_cast %get3A_164 : vector<1x16xf32> to vector<16xf32>
      %swap3A_166 = arith.index_cast %scan3A_153 : i32 to index
      %swap3A_167 = arith.constant 16 : index
      %swap3A_168 = tpu.vector_load %arg12[%swap3A_166, %swap3A_167] {strides = array<i32>} : memref<64x64xf32, #tpu.memory_space<vmem>>, vector<1x16xf32>,
      %swap3A_169 = vector.shape_cast %swap3A_168 : vector<1x16xf32> to vector<16xf32>
      %swap3A_170 = vector.shape_cast %get3A_165 : vector<16xf32> to vector<1x16xf32>
      tpu.vector_store %arg12[%swap3A_166, %swap3A_167], %swap3A_170 {strides = array<i32>} : memref<64x64xf32, #tpu.memory_space<vmem>>, vector<1x16xf32>,
      %get3A_171 = arith.index_cast %scan3A_153 : i32 to index
      %get3A_172 = arith.constant 0 : index
      %get3A_173 = tpu.vector_load %arg11[%get3A_171, %get3A_172] {strides = array<i32>} : memref<64x32xf32, #tpu.memory_space<vmem>>, vector<1x16xf32>,
      %get3A_174 = vector.shape_cast %get3A_173 : vector<1x16xf32> to vector<16xf32>
      %swap3A_175 = arith.index_cast %scan3A_153 : i32 to index
      %swap3A_176 = arith.constant 32 : index
      %swap3A_177 = tpu.vector_load %arg12[%swap3A_175, %swap3A_176] {strides = array<i32>} : memref<64x64xf32, #tpu.memory_space<vmem>>, vector<1x16xf32>,
      %swap3A_178 = vector.shape_cast %swap3A_177 : vector<1x16xf32> to vector<16xf32>
      %swap3A_179 = vector.shape_cast %get3A_174 : vector<16xf32> to vector<1x16xf32>
      tpu.vector_store %arg12[%swap3A_175, %swap3A_176], %swap3A_179 {strides = array<i32>} : memref<64x64xf32, #tpu.memory_space<vmem>>, vector<1x16xf32>,
      %get3A_180 = arith.index_cast %scan3A_153 : i32 to index
      %get3A_181 = arith.constant 16 : index
      %get3A_182 = tpu.vector_load %arg11[%get3A_180, %get3A_181] {strides = array<i32>} : memref<64x32xf32, #tpu.memory_space<vmem>>, vector<1x16xf32>,
      %get3A_183 = vector.shape_cast %get3A_182 : vector<1x16xf32> to vector<16xf32>
      %swap3A_184 = arith.index_cast %scan3A_153 : i32 to index
      %swap3A_185 = arith.constant 48 : index
      %swap3A_186 = tpu.vector_load %arg12[%swap3A_184, %swap3A_185] {strides = array<i32>} : memref<64x64xf32, #tpu.memory_space<vmem>>, vector<1x16xf32>,
      %swap3A_187 = vector.shape_cast %swap3A_186 : vector<1x16xf32> to vector<16xf32>
      %swap3A_188 = vector.shape_cast %get3A_183 : vector<16xf32> to vector<1x16xf32>
      tpu.vector_store %arg12[%swap3A_184, %swap3A_185], %swap3A_188 {strides = array<i32>} : memref<64x64xf32, #tpu.memory_space<vmem>>, vector<1x16xf32>,
      %scan3A_189 = arith.constant 0 : i32
      scf.yield %scan3A_189 : i32
    }
    %scan3A_72 = arith.constant 64 : i32
    %mul3A_73 = arith.constant 64 : i32
    %mul3A_74 = arith.muli %add3A_65, %mul3A_73 : i32
    "tpu.region"() ({
      %run_scoped3A = tpu.sem_alloc : memref<!tpu.dma_semaphore, #tpu.memory_space<semaphore_mem>>
      %dma_start3A_153 = arith.constant 0 : i32
      %dma_start3A_154 = tpu.memref_slice %arg13[%mul3A_74, %dma_start3A_153] : memref<4096x64xf32, #tpu.memory_space<vmem_shared>> -> memref<64x64xf32, #tpu.memory_space<vmem_shared>>
      %dma_start3A_155 = arith.constant 0 : i32
      %dma_start3A_156 = tpu.memref_slice %arg13[%mul3A_74, %dma_start3A_155] : memref<4096x64xf32, #tpu.memory_space<vmem_shared>> -> memref<64x64xf32, #tpu.memory_space<vmem_shared>>
      tpu.enqueue_dma source(%arg12 : memref<64x64xf32, #tpu.memory_space<vmem>>) target(%dma_start3A_156 : memref<64x64xf32, #tpu.memory_space<vmem_shared>>) target_semaphore(%run_scoped3A : memref<!tpu.dma_semaphore, #tpu.memory_space<semaphore_mem>>)
      %dma_wait3A_157 = arith.constant 0 : i32
      %dma_wait3A_158 = tpu.memref_slice %arg13[%mul3A_74, %dma_wait3A_157] : memref<4096x64xf32, #tpu.memory_space<vmem_shared>> -> memref<64x64xf32, #tpu.memory_space<vmem_shared>>
      %dma_wait3A_159 = arith.constant 0 : i32
      %dma_wait3A_160 = tpu.memref_slice %arg13[%mul3A_74, %dma_wait3A_159] : memref<4096x64xf32, #tpu.memory_space<vmem_shared>> -> memref<64x64xf32, #tpu.memory_space<vmem_shared>>
      tpu.wait_dma2 semaphore(%run_scoped3A : memref<!tpu.dma_semaphore, #tpu.memory_space<semaphore_mem>>) src(%arg12 : memref<64x64xf32, #tpu.memory_space<vmem>>) dst(%dma_wait3A_160 : memref<64x64xf32, #tpu.memory_space<vmem_shared>>)
      tpu.yield
    }) : () -> ()
    %barrier3A = arith.constant 0 : index
    tpu.barrier barrier_id(%barrier3A)
    %dma_wait3A = arith.constant 0 : i32
    %dma_wait3A_75 = arith.constant 0 : i32
    %dma_wait3A_76 = tpu.memref_slice %arg2[%dma_wait3A, %dma_wait3A_75] : memref<8192x128xi32, #tpu.memory_space<hbm>> -> memref<256x128xi32, #tpu.memory_space<hbm>>
    %dma_wait3A_77 = arith.constant 0 : i32
    %dma_wait3A_78 = arith.constant 0 : i32
    %dma_wait3A_79 = tpu.memref_slice %arg2[%dma_wait3A_77, %dma_wait3A_78] : memref<8192x128xi32, #tpu.memory_space<hbm>> -> memref<256x128xi32, #tpu.memory_space<hbm>>
    tpu.wait_dma2 semaphore(%arg20 : memref<!tpu.dma_semaphore, #tpu.memory_space<semaphore_mem>>) src(%dma_wait3A_79 : memref<256x128xi32, #tpu.memory_space<hbm>>) dst(%arg7 : memref<256x128xi32, #tpu.memory_space<vmem>>)
    %dma_start3A_80 = arith.constant 0 : i32
    %dma_start3A_81 = arith.constant 0 : i32
    %dma_start3A_82 = arith.constant 0 : i32
    %dma_start3A_83 = tpu.memref_slice %arg8[%dma_start3A_81, %dma_start3A_82] : memref<512x64xf32, #tpu.memory_space<vmem>> -> memref<128x64xf32, #tpu.memory_space<vmem>>
    %dma_start3A_84 = arith.constant 0 : i32
    %dma_start3A_85 = tpu.memref_slice %arg7[%dma_start3A_80, %dma_start3A_84] : memref<256x128xi32, #tpu.memory_space<vmem>> -> memref<1x128xi32, #tpu.memory_space<vmem>>
    %dma_start3A_86 = tpu.memref_squeeze %dma_start3A_85 : memref<1x128xi32, #tpu.memory_space<vmem>> -> memref<128xi32, #tpu.memory_space<vmem>>
    %dma_start3A_87 = arith.constant 0 : i32
    %dma_start3A_88 = arith.constant 0 : i32
    %dma_start3A_89 = tpu.memref_slice %arg14[%dma_start3A_87, %dma_start3A_88] : memref<1024x64xf32, #tpu.memory_space<vmem_shared>> -> memref<1024x64xf32, #tpu.memory_space<vmem_shared>>
    tpu.enqueue_indirect_dma source(%dma_start3A_89 : memref<1024x64xf32, #tpu.memory_space<vmem_shared>>) target(%dma_start3A_83 : memref<128x64xf32, #tpu.memory_space<vmem>>) offsets(%dma_start3A_86 : memref<128xi32, #tpu.memory_space<vmem>>) semaphore(%arg15 : memref<!tpu.dma_semaphore, #tpu.memory_space<semaphore_mem>>)
    %dma_start3A_90 = arith.constant 1 : i32
    %dma_start3A_91 = arith.constant 128 : i32
    %dma_start3A_92 = arith.constant 0 : i32
    %dma_start3A_93 = tpu.memref_slice %arg8[%dma_start3A_91, %dma_start3A_92] : memref<512x64xf32, #tpu.memory_space<vmem>> -> memref<128x64xf32, #tpu.memory_space<vmem>>
    %dma_start3A_94 = arith.constant 0 : i32
    %dma_start3A_95 = tpu.memref_slice %arg7[%dma_start3A_90, %dma_start3A_94] : memref<256x128xi32, #tpu.memory_space<vmem>> -> memref<1x128xi32, #tpu.memory_space<vmem>>
    %dma_start3A_96 = tpu.memref_squeeze %dma_start3A_95 : memref<1x128xi32, #tpu.memory_space<vmem>> -> memref<128xi32, #tpu.memory_space<vmem>>
    %dma_start3A_97 = arith.constant 0 : i32
    %dma_start3A_98 = arith.constant 0 : i32
    %dma_start3A_99 = tpu.memref_slice %arg14[%dma_start3A_97, %dma_start3A_98] : memref<1024x64xf32, #tpu.memory_space<vmem_shared>> -> memref<1024x64xf32, #tpu.memory_space<vmem_shared>>
    tpu.enqueue_indirect_dma source(%dma_start3A_99 : memref<1024x64xf32, #tpu.memory_space<vmem_shared>>) target(%dma_start3A_93 : memref<128x64xf32, #tpu.memory_space<vmem>>) offsets(%dma_start3A_96 : memref<128xi32, #tpu.memory_space<vmem>>) semaphore(%arg15 : memref<!tpu.dma_semaphore, #tpu.memory_space<semaphore_mem>>)
    %dma_start3A_100 = arith.constant 2 : i32
    %dma_start3A_101 = arith.constant 256 : i32
    %dma_start3A_102 = arith.constant 0 : i32
    %dma_start3A_103 = tpu.memref_slice %arg8[%dma_start3A_101, %dma_start3A_102] : memref<512x64xf32, #tpu.memory_space<vmem>> -> memref<128x64xf32, #tpu.memory_space<vmem>>
    %dma_start3A_104 = arith.constant 0 : i32
    %dma_start3A_105 = tpu.memref_slice %arg7[%dma_start3A_100, %dma_start3A_104] : memref<256x128xi32, #tpu.memory_space<vmem>> -> memref<1x128xi32, #tpu.memory_space<vmem>>
    %dma_start3A_106 = tpu.memref_squeeze %dma_start3A_105 : memref<1x128xi32, #tpu.memory_space<vmem>> -> memref<128xi32, #tpu.memory_space<vmem>>
    %dma_start3A_107 = arith.constant 0 : i32
    %dma_start3A_108 = arith.constant 0 : i32
    %dma_start3A_109 = tpu.memref_slice %arg14[%dma_start3A_107, %dma_start3A_108] : memref<1024x64xf32, #tpu.memory_space<vmem_shared>> -> memref<1024x64xf32, #tpu.memory_space<vmem_shared>>
    tpu.enqueue_indirect_dma source(%dma_start3A_109 : memref<1024x64xf32, #tpu.memory_space<vmem_shared>>) target(%dma_start3A_103 : memref<128x64xf32, #tpu.memory_space<vmem>>) offsets(%dma_start3A_106 : memref<128xi32, #tpu.memory_space<vmem>>) semaphore(%arg15 : memref<!tpu.dma_semaphore, #tpu.memory_space<semaphore_mem>>)
    %dma_start3A_110 = arith.constant 3 : i32
    %dma_start3A_111 = arith.constant 384 : i32
    %dma_start3A_112 = arith.constant 0 : i32
    %dma_start3A_113 = tpu.memref_slice %arg8[%dma_start3A_111, %dma_start3A_112] : memref<512x64xf32, #tpu.memory_space<vmem>> -> memref<128x64xf32, #tpu.memory_space<vmem>>
    %dma_start3A_114 = arith.constant 0 : i32
    %dma_start3A_115 = tpu.memref_slice %arg7[%dma_start3A_110, %dma_start3A_114] : memref<256x128xi32, #tpu.memory_space<vmem>> -> memref<1x128xi32, #tpu.memory_space<vmem>>
    %dma_start3A_116 = tpu.memref_squeeze %dma_start3A_115 : memref<1x128xi32, #tpu.memory_space<vmem>> -> memref<128xi32, #tpu.memory_space<vmem>>
    %dma_start3A_117 = arith.constant 0 : i32
    %dma_start3A_118 = arith.constant 0 : i32
    %dma_start3A_119 = tpu.memref_slice %arg14[%dma_start3A_117, %dma_start3A_118] : memref<1024x64xf32, #tpu.memory_space<vmem_shared>> -> memref<1024x64xf32, #tpu.memory_space<vmem_shared>>
    tpu.enqueue_indirect_dma source(%dma_start3A_119 : memref<1024x64xf32, #tpu.memory_space<vmem_shared>>) target(%dma_start3A_113 : memref<128x64xf32, #tpu.memory_space<vmem>>) offsets(%dma_start3A_116 : memref<128xi32, #tpu.memory_space<vmem>>) semaphore(%arg15 : memref<!tpu.dma_semaphore, #tpu.memory_space<semaphore_mem>>)
    %scan3A_120 = arith.constant 0 : i32
    %scan3A_121 = arith.constant 0 : i32
    %scan3A_122 = arith.constant 32 : i32
    %scan3A_123 = arith.addi %scan3A_121, %scan3A_122 : i32
    %scan3A_124 = arith.constant 1 : i32
    %scan3A_125 = scf.for %scan3A_153 = %scan3A_121 to %scan3A_123 step %scan3A_124 iter_args(%scan3A_154 = %scan3A_120) -> (i32)  : i32 {
      %mul3A_155 = arith.constant 2 : i32
      %mul3A_156 = arith.muli %mul3A_155, %scan3A_153 : i32
      %add3A_157 = arith.constant 0 : i32
      %add3A_158 = arith.addi %mul3A_156, %add3A_157 : i32
      %gt3A = arith.constant 0 : i32
      %gt3A_159 = arith.cmpi sgt, %scan3A_153, %gt3A : i32
      %convert_element_type3A_160 = arith.extui %gt3A_159 : i1 to i32
      %cond3A_161 = arith.constant 0 : i32
      %cond3A_162 = arith.cmpi ne, %convert_element_type3A_160, %cond3A_161 : i32
      scf.if %cond3A_162 {
        %mul3A_302 = arith.constant 512 : i32
        %mul3A_303 = arith.muli %add3A_158, %mul3A_302 : i32
        %add3A_304 = arith.addi %mul3A_2, %mul3A_303 : i32
        %dma_wait3A_305 = arith.constant 0 : i32
        %dma_wait3A_306 = tpu.memref_slice %arg6[%add3A_304, %dma_wait3A_305] : memref<1048576x128xf32, #tpu.memory_space<hbm>> -> memref<512x64xf32, #tpu.memory_space<hbm>>
        %dma_wait3A_307 = arith.constant 0 : i32
        %dma_wait3A_308 = tpu.memref_slice %arg6[%add3A_304, %dma_wait3A_307] : memref<1048576x128xf32, #tpu.memory_space<hbm>> -> memref<512x64xf32, #tpu.memory_space<hbm>>
        tpu.wait_dma2 semaphore(%arg18 : memref<!tpu.dma_semaphore, #tpu.memory_space<semaphore_mem>>) src(%arg9 : memref<512x64xf32, #tpu.memory_space<vmem>>) dst(%dma_wait3A_308 : memref<512x64xf32, #tpu.memory_space<hbm>>)
        %jit3A_309 = arith.constant 8 : i32
        %eq3A_310 = arith.constant 0 : i32
        %eq3A_311 = arith.cmpi eq, %jit3A_309, %eq3A_310 : i32
        %jit3A_312 = arith.constant 1 : i32
        %select_n3A_313 = arith.select %eq3A_311, %jit3A_312, %jit3A_309 : i32
        %rem3A_314 = arith.remsi %add3A_158, %select_n3A_313 : i32
        %ne3A_315 = arith.constant 0 : i32
        %ne3A_316 = arith.cmpi ne, %rem3A_314, %ne3A_315 : i32
        %lt3A_317 = arith.constant 0 : i32
        %lt3A_318 = arith.cmpi slt, %rem3A_314, %lt3A_317 : i32
        %lt3A_319 = arith.constant 0 : i32
        %lt3A_320 = arith.cmpi slt, %select_n3A_313, %lt3A_319 : i32
        %ne3A_321 = arith.xori %lt3A_318, %lt3A_320 : i1
        %and3A_322 = arith.andi %ne3A_321, %ne3A_316 : i1
        %add3A_323 = arith.addi %rem3A_314, %select_n3A_313 : i32
        %select_n3A_324 = arith.select %and3A_322, %add3A_323, %rem3A_314 : i32
        %mul3A_325 = arith.constant 512 : i32
        %mul3A_326 = arith.muli %select_n3A_324, %mul3A_325 : i32
        %mul3A_327 = arith.constant 512 : i32
        %mul3A_328 = arith.muli %add3A_158, %mul3A_327 : i32
        %add3A_329 = arith.addi %mul3A_2, %mul3A_328 : i32
        %dma_wait3A_330 = arith.constant 64 : i32
        %dma_wait3A_331 = tpu.memref_slice %arg6[%add3A_329, %dma_wait3A_330] : memref<1048576x128xf32, #tpu.memory_space<hbm>> -> memref<512x64xf32, #tpu.memory_space<hbm>>
        %dma_wait3A_332 = arith.constant 0 : i32
        %dma_wait3A_333 = tpu.memref_slice %arg13[%mul3A_326, %dma_wait3A_332] : memref<4096x64xf32, #tpu.memory_space<vmem_shared>> -> memref<512x64xf32, #tpu.memory_space<vmem_shared>>
        tpu.wait_dma2 semaphore(%arg19 : memref<!tpu.dma_semaphore, #tpu.memory_space<semaphore_mem>>) src(%dma_wait3A_333 : memref<512x64xf32, #tpu.memory_space<vmem_shared>>) dst(%dma_wait3A_331 : memref<512x64xf32, #tpu.memory_space<hbm>>)
      } else {
      }
      %add3A_163 = arith.constant 1 : i32
      %add3A_164 = arith.addi %add3A_158, %add3A_163 : i32
      %mul3A_165 = arith.constant 4 : i32
      %mul3A_166 = arith.muli %add3A_164, %mul3A_165 : i32
      %add3A_167 = arith.constant 0 : i32
      %add3A_168 = arith.addi %mul3A_166, %add3A_167 : i32
      %dma_start3A_169 = arith.constant 0 : i32
      %dma_start3A_170 = arith.constant 0 : i32
      %dma_start3A_171 = tpu.memref_slice %arg9[%dma_start3A_169, %dma_start3A_170] : memref<512x64xf32, #tpu.memory_space<vmem>> -> memref<128x64xf32, #tpu.memory_space<vmem>>
      %dma_start3A_172 = arith.constant 0 : i32
      %dma_start3A_173 = tpu.memref_slice %arg7[%add3A_168, %dma_start3A_172] : memref<256x128xi32, #tpu.memory_space<vmem>> -> memref<1x128xi32, #tpu.memory_space<vmem>>
      %dma_start3A_174 = tpu.memref_squeeze %dma_start3A_173 : memref<1x128xi32, #tpu.memory_space<vmem>> -> memref<128xi32, #tpu.memory_space<vmem>>
      %dma_start3A_175 = arith.constant 0 : i32
      %dma_start3A_176 = arith.constant 0 : i32
      %dma_start3A_177 = tpu.memref_slice %arg14[%dma_start3A_175, %dma_start3A_176] : memref<1024x64xf32, #tpu.memory_space<vmem_shared>> -> memref<1024x64xf32, #tpu.memory_space<vmem_shared>>
      tpu.enqueue_indirect_dma source(%dma_start3A_177 : memref<1024x64xf32, #tpu.memory_space<vmem_shared>>) target(%dma_start3A_171 : memref<128x64xf32, #tpu.memory_space<vmem>>) offsets(%dma_start3A_174 : memref<128xi32, #tpu.memory_space<vmem>>) semaphore(%arg16 : memref<!tpu.dma_semaphore, #tpu.memory_space<semaphore_mem>>)
      %mul3A_178 = arith.constant 4 : i32
      %mul3A_179 = arith.muli %add3A_164, %mul3A_178 : i32
      %add3A_180 = arith.constant 1 : i32
      %add3A_181 = arith.addi %mul3A_179, %add3A_180 : i32
      %dma_start3A_182 = arith.constant 128 : i32
      %dma_start3A_183 = arith.constant 0 : i32
      %dma_start3A_184 = tpu.memref_slice %arg9[%dma_start3A_182, %dma_start3A_183] : memref<512x64xf32, #tpu.memory_space<vmem>> -> memref<128x64xf32, #tpu.memory_space<vmem>>
      %dma_start3A_185 = arith.constant 0 : i32
      %dma_start3A_186 = tpu.memref_slice %arg7[%add3A_181, %dma_start3A_185] : memref<256x128xi32, #tpu.memory_space<vmem>> -> memref<1x128xi32, #tpu.memory_space<vmem>>
      %dma_start3A_187 = tpu.memref_squeeze %dma_start3A_186 : memref<1x128xi32, #tpu.memory_space<vmem>> -> memref<128xi32, #tpu.memory_space<vmem>>
      %dma_start3A_188 = arith.constant 0 : i32
      %dma_start3A_189 = arith.constant 0 : i32
      %dma_start3A_190 = tpu.memref_slice %arg14[%dma_start3A_188, %dma_start3A_189] : memref<1024x64xf32, #tpu.memory_space<vmem_shared>> -> memref<1024x64xf32, #tpu.memory_space<vmem_shared>>
      tpu.enqueue_indirect_dma source(%dma_start3A_190 : memref<1024x64xf32, #tpu.memory_space<vmem_shared>>) target(%dma_start3A_184 : memref<128x64xf32, #tpu.memory_space<vmem>>) offsets(%dma_start3A_187 : memref<128xi32, #tpu.memory_space<vmem>>) semaphore(%arg16 : memref<!tpu.dma_semaphore, #tpu.memory_space<semaphore_mem>>)
      %mul3A_191 = arith.constant 4 : i32
      %mul3A_192 = arith.muli %add3A_164, %mul3A_191 : i32
      %add3A_193 = arith.constant 2 : i32
      %add3A_194 = arith.addi %mul3A_192, %add3A_193 : i32
      %dma_start3A_195 = arith.constant 256 : i32
      %dma_start3A_196 = arith.constant 0 : i32
      %dma_start3A_197 = tpu.memref_slice %arg9[%dma_start3A_195, %dma_start3A_196] : memref<512x64xf32, #tpu.memory_space<vmem>> -> memref<128x64xf32, #tpu.memory_space<vmem>>
      %dma_start3A_198 = arith.constant 0 : i32
      %dma_start3A_199 = tpu.memref_slice %arg7[%add3A_194, %dma_start3A_198] : memref<256x128xi32, #tpu.memory_space<vmem>> -> memref<1x128xi32, #tpu.memory_space<vmem>>
      %dma_start3A_200 = tpu.memref_squeeze %dma_start3A_199 : memref<1x128xi32, #tpu.memory_space<vmem>> -> memref<128xi32, #tpu.memory_space<vmem>>
      %dma_start3A_201 = arith.constant 0 : i32
      %dma_start3A_202 = arith.constant 0 : i32
      %dma_start3A_203 = tpu.memref_slice %arg14[%dma_start3A_201, %dma_start3A_202] : memref<1024x64xf32, #tpu.memory_space<vmem_shared>> -> memref<1024x64xf32, #tpu.memory_space<vmem_shared>>
      tpu.enqueue_indirect_dma source(%dma_start3A_203 : memref<1024x64xf32, #tpu.memory_space<vmem_shared>>) target(%dma_start3A_197 : memref<128x64xf32, #tpu.memory_space<vmem>>) offsets(%dma_start3A_200 : memref<128xi32, #tpu.memory_space<vmem>>) semaphore(%arg16 : memref<!tpu.dma_semaphore, #tpu.memory_space<semaphore_mem>>)
      %mul3A_204 = arith.constant 4 : i32
      %mul3A_205 = arith.muli %add3A_164, %mul3A_204 : i32
      %add3A_206 = arith.constant 3 : i32
      %add3A_207 = arith.addi %mul3A_205, %add3A_206 : i32
      %dma_start3A_208 = arith.constant 384 : i32
      %dma_start3A_209 = arith.constant 0 : i32
      %dma_start3A_210 = tpu.memref_slice %arg9[%dma_start3A_208, %dma_start3A_209] : memref<512x64xf32, #tpu.memory_space<vmem>> -> memref<128x64xf32, #tpu.memory_space<vmem>>
      %dma_start3A_211 = arith.constant 0 : i32
      %dma_start3A_212 = tpu.memref_slice %arg7[%add3A_207, %dma_start3A_211] : memref<256x128xi32, #tpu.memory_space<vmem>> -> memref<1x128xi32, #tpu.memory_space<vmem>>
      %dma_start3A_213 = tpu.memref_squeeze %dma_start3A_212 : memref<1x128xi32, #tpu.memory_space<vmem>> -> memref<128xi32, #tpu.memory_space<vmem>>
      %dma_start3A_214 = arith.constant 0 : i32
      %dma_start3A_215 = arith.constant 0 : i32
      %dma_start3A_216 = tpu.memref_slice %arg14[%dma_start3A_214, %dma_start3A_215] : memref<1024x64xf32, #tpu.memory_space<vmem_shared>> -> memref<1024x64xf32, #tpu.memory_space<vmem_shared>>
      tpu.enqueue_indirect_dma source(%dma_start3A_216 : memref<1024x64xf32, #tpu.memory_space<vmem_shared>>) target(%dma_start3A_210 : memref<128x64xf32, #tpu.memory_space<vmem>>) offsets(%dma_start3A_213 : memref<128xi32, #tpu.memory_space<vmem>>) semaphore(%arg16 : memref<!tpu.dma_semaphore, #tpu.memory_space<semaphore_mem>>)
      %dma_wait3A_217 = arith.constant 0 : i32
      %dma_wait3A_218 = arith.constant 0 : i32
      %dma_wait3A_219 = tpu.memref_slice %arg14[%dma_wait3A_217, %dma_wait3A_218] : memref<1024x64xf32, #tpu.memory_space<vmem_shared>> -> memref<512x64xf32, #tpu.memory_space<vmem_shared>>
      %dma_wait3A_220 = arith.constant 0 : i32
      %dma_wait3A_221 = arith.constant 0 : i32
      %dma_wait3A_222 = tpu.memref_slice %arg14[%dma_wait3A_220, %dma_wait3A_221] : memref<1024x64xf32, #tpu.memory_space<vmem_shared>> -> memref<512x64xf32, #tpu.memory_space<vmem_shared>>
      tpu.wait_dma2 semaphore(%arg15 : memref<!tpu.dma_semaphore, #tpu.memory_space<semaphore_mem>>) src(%dma_wait3A_222 : memref<512x64xf32, #tpu.memory_space<vmem_shared>>) dst(%arg8 : memref<512x64xf32, #tpu.memory_space<vmem>>)
      %mul3A_223 = arith.constant 512 : i32
      %mul3A_224 = arith.muli %add3A_158, %mul3A_223 : i32
      %add3A_225 = arith.addi %mul3A_2, %mul3A_224 : i32
      %dma_start3A_226 = arith.constant 0 : i32
      %dma_start3A_227 = tpu.memref_slice %arg6[%add3A_225, %dma_start3A_226] : memref<1048576x128xf32, #tpu.memory_space<hbm>> -> memref<512x64xf32, #tpu.memory_space<hbm>>
      %dma_start3A_228 = arith.constant 0 : i32
      %dma_start3A_229 = tpu.memref_slice %arg6[%add3A_225, %dma_start3A_228] : memref<1048576x128xf32, #tpu.memory_space<hbm>> -> memref<512x64xf32, #tpu.memory_space<hbm>>
      tpu.enqueue_dma source(%arg8 : memref<512x64xf32, #tpu.memory_space<vmem>>) target(%dma_start3A_229 : memref<512x64xf32, #tpu.memory_space<hbm>>) target_semaphore(%arg17 : memref<!tpu.dma_semaphore, #tpu.memory_space<semaphore_mem>>)
      %jit3A_230 = arith.constant 8 : i32
      %eq3A_231 = arith.constant 0 : i32
      %eq3A_232 = arith.cmpi eq, %jit3A_230, %eq3A_231 : i32
      %jit3A_233 = arith.constant 1 : i32
      %select_n3A_234 = arith.select %eq3A_232, %jit3A_233, %jit3A_230 : i32
      %rem3A_235 = arith.remsi %add3A_158, %select_n3A_234 : i32
      %ne3A_236 = arith.constant 0 : i32
      %ne3A_237 = arith.cmpi ne, %rem3A_235, %ne3A_236 : i32
      %lt3A = arith.constant 0 : i32
      %lt3A_238 = arith.cmpi slt, %rem3A_235, %lt3A : i32
      %lt3A_239 = arith.constant 0 : i32
      %lt3A_240 = arith.cmpi slt, %select_n3A_234, %lt3A_239 : i32
      %ne3A_241 = arith.xori %lt3A_238, %lt3A_240 : i1
      %and3A_242 = arith.andi %ne3A_241, %ne3A_237 : i1
      %add3A_243 = arith.addi %rem3A_235, %select_n3A_234 : i32
      %select_n3A_244 = arith.select %and3A_242, %add3A_243, %rem3A_235 : i32
      %mul3A_245 = arith.constant 512 : i32
      %mul3A_246 = arith.muli %select_n3A_244, %mul3A_245 : i32
      %mul3A_247 = arith.constant 512 : i32
      %mul3A_248 = arith.muli %add3A_158, %mul3A_247 : i32
      %add3A_249 = arith.addi %mul3A_2, %mul3A_248 : i32
      %dma_start3A_250 = arith.constant 64 : i32
      %dma_start3A_251 = tpu.memref_slice %arg6[%add3A_249, %dma_start3A_250] : memref<1048576x128xf32, #tpu.memory_space<hbm>> -> memref<512x64xf32, #tpu.memory_space<hbm>>
      %dma_start3A_252 = arith.constant 0 : i32
      %dma_start3A_253 = tpu.memref_slice %arg13[%mul3A_246, %dma_start3A_252] : memref<4096x64xf32, #tpu.memory_space<vmem_shared>> -> memref<512x64xf32, #tpu.memory_space<vmem_shared>>
      tpu.enqueue_dma source(%dma_start3A_253 : memref<512x64xf32, #tpu.memory_space<vmem_shared>>) target(%dma_start3A_251 : memref<512x64xf32, #tpu.memory_space<hbm>>) target_semaphore(%arg19 : memref<!tpu.dma_semaphore, #tpu.memory_space<semaphore_mem>>)
      %mul3A_254 = arith.constant 2 : i32
      %mul3A_255 = arith.muli %mul3A_254, %scan3A_153 : i32
      %add3A_256 = arith.constant 1 : i32
      %add3A_257 = arith.addi %mul3A_255, %add3A_256 : i32
      %lt3A_258 = arith.constant 31 : i32
      %lt3A_259 = arith.cmpi slt, %scan3A_153, %lt3A_258 : i32
      %convert_element_type3A_260 = arith.extui %lt3A_259 : i1 to i32
      %cond3A_261 = arith.constant 0 : i32
      %cond3A_262 = arith.cmpi ne, %convert_element_type3A_260, %cond3A_261 : i32
      scf.if %cond3A_262 {
        %mul3A_302 = arith.constant 512 : i32
        %mul3A_303 = arith.muli %add3A_257, %mul3A_302 : i32
        %add3A_304 = arith.addi %mul3A_2, %mul3A_303 : i32
        %dma_wait3A_305 = arith.constant 0 : i32
        %dma_wait3A_306 = tpu.memref_slice %arg6[%add3A_304, %dma_wait3A_305] : memref<1048576x128xf32, #tpu.memory_space<hbm>> -> memref<512x64xf32, #tpu.memory_space<hbm>>
        %dma_wait3A_307 = arith.constant 0 : i32
        %dma_wait3A_308 = tpu.memref_slice %arg6[%add3A_304, %dma_wait3A_307] : memref<1048576x128xf32, #tpu.memory_space<hbm>> -> memref<512x64xf32, #tpu.memory_space<hbm>>
        tpu.wait_dma2 semaphore(%arg17 : memref<!tpu.dma_semaphore, #tpu.memory_space<semaphore_mem>>) src(%arg8 : memref<512x64xf32, #tpu.memory_space<vmem>>) dst(%dma_wait3A_308 : memref<512x64xf32, #tpu.memory_space<hbm>>)
        %jit3A_309 = arith.constant 8 : i32
        %eq3A_310 = arith.constant 0 : i32
        %eq3A_311 = arith.cmpi eq, %jit3A_309, %eq3A_310 : i32
        %jit3A_312 = arith.constant 1 : i32
        %select_n3A_313 = arith.select %eq3A_311, %jit3A_312, %jit3A_309 : i32
        %rem3A_314 = arith.remsi %add3A_257, %select_n3A_313 : i32
        %ne3A_315 = arith.constant 0 : i32
        %ne3A_316 = arith.cmpi ne, %rem3A_314, %ne3A_315 : i32
        %lt3A_317 = arith.constant 0 : i32
        %lt3A_318 = arith.cmpi slt, %rem3A_314, %lt3A_317 : i32
        %lt3A_319 = arith.constant 0 : i32
        %lt3A_320 = arith.cmpi slt, %select_n3A_313, %lt3A_319 : i32
        %ne3A_321 = arith.xori %lt3A_318, %lt3A_320 : i1
        %and3A_322 = arith.andi %ne3A_321, %ne3A_316 : i1
        %add3A_323 = arith.addi %rem3A_314, %select_n3A_313 : i32
        %select_n3A_324 = arith.select %and3A_322, %add3A_323, %rem3A_314 : i32
        %mul3A_325 = arith.constant 512 : i32
        %mul3A_326 = arith.muli %select_n3A_324, %mul3A_325 : i32
        %mul3A_327 = arith.constant 512 : i32
        %mul3A_328 = arith.muli %add3A_257, %mul3A_327 : i32
        %add3A_329 = arith.addi %mul3A_2, %mul3A_328 : i32
        %dma_wait3A_330 = arith.constant 64 : i32
        %dma_wait3A_331 = tpu.memref_slice %arg6[%add3A_329, %dma_wait3A_330] : memref<1048576x128xf32, #tpu.memory_space<hbm>> -> memref<512x64xf32, #tpu.memory_space<hbm>>
        %dma_wait3A_332 = arith.constant 0 : i32
        %dma_wait3A_333 = tpu.memref_slice %arg13[%mul3A_326, %dma_wait3A_332] : memref<4096x64xf32, #tpu.memory_space<vmem_shared>> -> memref<512x64xf32, #tpu.memory_space<vmem_shared>>
        tpu.wait_dma2 semaphore(%arg19 : memref<!tpu.dma_semaphore, #tpu.memory_space<semaphore_mem>>) src(%dma_wait3A_333 : memref<512x64xf32, #tpu.memory_space<vmem_shared>>) dst(%dma_wait3A_331 : memref<512x64xf32, #tpu.memory_space<hbm>>)
        %add3A_334 = arith.constant 1 : i32
        %add3A_335 = arith.addi %add3A_257, %add3A_334 : i32
        %mul3A_336 = arith.constant 4 : i32
        %mul3A_337 = arith.muli %add3A_335, %mul3A_336 : i32
        %add3A_338 = arith.constant 0 : i32
        %add3A_339 = arith.addi %mul3A_337, %add3A_338 : i32
        %dma_start3A_340 = arith.constant 0 : i32
        %dma_start3A_341 = arith.constant 0 : i32
        %dma_start3A_342 = tpu.memref_slice %arg8[%dma_start3A_340, %dma_start3A_341] : memref<512x64xf32, #tpu.memory_space<vmem>> -> memref<128x64xf32, #tpu.memory_space<vmem>>
        %dma_start3A_343 = arith.constant 0 : i32
        %dma_start3A_344 = tpu.memref_slice %arg7[%add3A_339, %dma_start3A_343] : memref<256x128xi32, #tpu.memory_space<vmem>> -> memref<1x128xi32, #tpu.memory_space<vmem>>
        %dma_start3A_345 = tpu.memref_squeeze %dma_start3A_344 : memref<1x128xi32, #tpu.memory_space<vmem>> -> memref<128xi32, #tpu.memory_space<vmem>>
        %dma_start3A_346 = arith.constant 0 : i32
        %dma_start3A_347 = arith.constant 0 : i32
        %dma_start3A_348 = tpu.memref_slice %arg14[%dma_start3A_346, %dma_start3A_347] : memref<1024x64xf32, #tpu.memory_space<vmem_shared>> -> memref<1024x64xf32, #tpu.memory_space<vmem_shared>>
        tpu.enqueue_indirect_dma source(%dma_start3A_348 : memref<1024x64xf32, #tpu.memory_space<vmem_shared>>) target(%dma_start3A_342 : memref<128x64xf32, #tpu.memory_space<vmem>>) offsets(%dma_start3A_345 : memref<128xi32, #tpu.memory_space<vmem>>) semaphore(%arg15 : memref<!tpu.dma_semaphore, #tpu.memory_space<semaphore_mem>>)
        %mul3A_349 = arith.constant 4 : i32
        %mul3A_350 = arith.muli %add3A_335, %mul3A_349 : i32
        %add3A_351 = arith.constant 1 : i32
        %add3A_352 = arith.addi %mul3A_350, %add3A_351 : i32
        %dma_start3A_353 = arith.constant 128 : i32
        %dma_start3A_354 = arith.constant 0 : i32
        %dma_start3A_355 = tpu.memref_slice %arg8[%dma_start3A_353, %dma_start3A_354] : memref<512x64xf32, #tpu.memory_space<vmem>> -> memref<128x64xf32, #tpu.memory_space<vmem>>
        %dma_start3A_356 = arith.constant 0 : i32
        %dma_start3A_357 = tpu.memref_slice %arg7[%add3A_352, %dma_start3A_356] : memref<256x128xi32, #tpu.memory_space<vmem>> -> memref<1x128xi32, #tpu.memory_space<vmem>>
        %dma_start3A_358 = tpu.memref_squeeze %dma_start3A_357 : memref<1x128xi32, #tpu.memory_space<vmem>> -> memref<128xi32, #tpu.memory_space<vmem>>
        %dma_start3A_359 = arith.constant 0 : i32
        %dma_start3A_360 = arith.constant 0 : i32
        %dma_start3A_361 = tpu.memref_slice %arg14[%dma_start3A_359, %dma_start3A_360] : memref<1024x64xf32, #tpu.memory_space<vmem_shared>> -> memref<1024x64xf32, #tpu.memory_space<vmem_shared>>
        tpu.enqueue_indirect_dma source(%dma_start3A_361 : memref<1024x64xf32, #tpu.memory_space<vmem_shared>>) target(%dma_start3A_355 : memref<128x64xf32, #tpu.memory_space<vmem>>) offsets(%dma_start3A_358 : memref<128xi32, #tpu.memory_space<vmem>>) semaphore(%arg15 : memref<!tpu.dma_semaphore, #tpu.memory_space<semaphore_mem>>)
        %mul3A_362 = arith.constant 4 : i32
        %mul3A_363 = arith.muli %add3A_335, %mul3A_362 : i32
        %add3A_364 = arith.constant 2 : i32
        %add3A_365 = arith.addi %mul3A_363, %add3A_364 : i32
        %dma_start3A_366 = arith.constant 256 : i32
        %dma_start3A_367 = arith.constant 0 : i32
        %dma_start3A_368 = tpu.memref_slice %arg8[%dma_start3A_366, %dma_start3A_367] : memref<512x64xf32, #tpu.memory_space<vmem>> -> memref<128x64xf32, #tpu.memory_space<vmem>>
        %dma_start3A_369 = arith.constant 0 : i32
        %dma_start3A_370 = tpu.memref_slice %arg7[%add3A_365, %dma_start3A_369] : memref<256x128xi32, #tpu.memory_space<vmem>> -> memref<1x128xi32, #tpu.memory_space<vmem>>
        %dma_start3A_371 = tpu.memref_squeeze %dma_start3A_370 : memref<1x128xi32, #tpu.memory_space<vmem>> -> memref<128xi32, #tpu.memory_space<vmem>>
        %dma_start3A_372 = arith.constant 0 : i32
        %dma_start3A_373 = arith.constant 0 : i32
        %dma_start3A_374 = tpu.memref_slice %arg14[%dma_start3A_372, %dma_start3A_373] : memref<1024x64xf32, #tpu.memory_space<vmem_shared>> -> memref<1024x64xf32, #tpu.memory_space<vmem_shared>>
        tpu.enqueue_indirect_dma source(%dma_start3A_374 : memref<1024x64xf32, #tpu.memory_space<vmem_shared>>) target(%dma_start3A_368 : memref<128x64xf32, #tpu.memory_space<vmem>>) offsets(%dma_start3A_371 : memref<128xi32, #tpu.memory_space<vmem>>) semaphore(%arg15 : memref<!tpu.dma_semaphore, #tpu.memory_space<semaphore_mem>>)
        %mul3A_375 = arith.constant 4 : i32
        %mul3A_376 = arith.muli %add3A_335, %mul3A_375 : i32
        %add3A_377 = arith.constant 3 : i32
        %add3A_378 = arith.addi %mul3A_376, %add3A_377 : i32
        %dma_start3A_379 = arith.constant 384 : i32
        %dma_start3A_380 = arith.constant 0 : i32
        %dma_start3A_381 = tpu.memref_slice %arg8[%dma_start3A_379, %dma_start3A_380] : memref<512x64xf32, #tpu.memory_space<vmem>> -> memref<128x64xf32, #tpu.memory_space<vmem>>
        %dma_start3A_382 = arith.constant 0 : i32
        %dma_start3A_383 = tpu.memref_slice %arg7[%add3A_378, %dma_start3A_382] : memref<256x128xi32, #tpu.memory_space<vmem>> -> memref<1x128xi32, #tpu.memory_space<vmem>>
        %dma_start3A_384 = tpu.memref_squeeze %dma_start3A_383 : memref<1x128xi32, #tpu.memory_space<vmem>> -> memref<128xi32, #tpu.memory_space<vmem>>
        %dma_start3A_385 = arith.constant 0 : i32
        %dma_start3A_386 = arith.constant 0 : i32
        %dma_start3A_387 = tpu.memref_slice %arg14[%dma_start3A_385, %dma_start3A_386] : memref<1024x64xf32, #tpu.memory_space<vmem_shared>> -> memref<1024x64xf32, #tpu.memory_space<vmem_shared>>
        tpu.enqueue_indirect_dma source(%dma_start3A_387 : memref<1024x64xf32, #tpu.memory_space<vmem_shared>>) target(%dma_start3A_381 : memref<128x64xf32, #tpu.memory_space<vmem>>) offsets(%dma_start3A_384 : memref<128xi32, #tpu.memory_space<vmem>>) semaphore(%arg15 : memref<!tpu.dma_semaphore, #tpu.memory_space<semaphore_mem>>)
      } else {
      }
      %dma_wait3A_263 = arith.constant 0 : i32
      %dma_wait3A_264 = arith.constant 0 : i32
      %dma_wait3A_265 = tpu.memref_slice %arg14[%dma_wait3A_263, %dma_wait3A_264] : memref<1024x64xf32, #tpu.memory_space<vmem_shared>> -> memref<512x64xf32, #tpu.memory_space<vmem_shared>>
      %dma_wait3A_266 = arith.constant 0 : i32
      %dma_wait3A_267 = arith.constant 0 : i32
      %dma_wait3A_268 = tpu.memref_slice %arg14[%dma_wait3A_266, %dma_wait3A_267] : memref<1024x64xf32, #tpu.memory_space<vmem_shared>> -> memref<512x64xf32, #tpu.memory_space<vmem_shared>>
      tpu.wait_dma2 semaphore(%arg16 : memref<!tpu.dma_semaphore, #tpu.memory_space<semaphore_mem>>) src(%dma_wait3A_268 : memref<512x64xf32, #tpu.memory_space<vmem_shared>>) dst(%arg9 : memref<512x64xf32, #tpu.memory_space<vmem>>)
      %mul3A_269 = arith.constant 512 : i32
      %mul3A_270 = arith.muli %add3A_257, %mul3A_269 : i32
      %add3A_271 = arith.addi %mul3A_2, %mul3A_270 : i32
      %dma_start3A_272 = arith.constant 0 : i32
      %dma_start3A_273 = tpu.memref_slice %arg6[%add3A_271, %dma_start3A_272] : memref<1048576x128xf32, #tpu.memory_space<hbm>> -> memref<512x64xf32, #tpu.memory_space<hbm>>
      %dma_start3A_274 = arith.constant 0 : i32
      %dma_start3A_275 = tpu.memref_slice %arg6[%add3A_271, %dma_start3A_274] : memref<1048576x128xf32, #tpu.memory_space<hbm>> -> memref<512x64xf32, #tpu.memory_space<hbm>>
      tpu.enqueue_dma source(%arg9 : memref<512x64xf32, #tpu.memory_space<vmem>>) target(%dma_start3A_275 : memref<512x64xf32, #tpu.memory_space<hbm>>) target_semaphore(%arg18 : memref<!tpu.dma_semaphore, #tpu.memory_space<semaphore_mem>>)
      %jit3A_276 = arith.constant 8 : i32
      %eq3A_277 = arith.constant 0 : i32
      %eq3A_278 = arith.cmpi eq, %jit3A_276, %eq3A_277 : i32
      %jit3A_279 = arith.constant 1 : i32
      %select_n3A_280 = arith.select %eq3A_278, %jit3A_279, %jit3A_276 : i32
      %rem3A_281 = arith.remsi %add3A_257, %select_n3A_280 : i32
      %ne3A_282 = arith.constant 0 : i32
      %ne3A_283 = arith.cmpi ne, %rem3A_281, %ne3A_282 : i32
      %lt3A_284 = arith.constant 0 : i32
      %lt3A_285 = arith.cmpi slt, %rem3A_281, %lt3A_284 : i32
      %lt3A_286 = arith.constant 0 : i32
      %lt3A_287 = arith.cmpi slt, %select_n3A_280, %lt3A_286 : i32
      %ne3A_288 = arith.xori %lt3A_285, %lt3A_287 : i1
      %and3A_289 = arith.andi %ne3A_288, %ne3A_283 : i1
      %add3A_290 = arith.addi %rem3A_281, %select_n3A_280 : i32
      %select_n3A_291 = arith.select %and3A_289, %add3A_290, %rem3A_281 : i32
      %mul3A_292 = arith.constant 512 : i32
      %mul3A_293 = arith.muli %select_n3A_291, %mul3A_292 : i32
      %mul3A_294 = arith.constant 512 : i32
      %mul3A_295 = arith.muli %add3A_257, %mul3A_294 : i32
      %add3A_296 = arith.addi %mul3A_2, %mul3A_295 : i32
      %dma_start3A_297 = arith.constant 64 : i32
      %dma_start3A_298 = tpu.memref_slice %arg6[%add3A_296, %dma_start3A_297] : memref<1048576x128xf32, #tpu.memory_space<hbm>> -> memref<512x64xf32, #tpu.memory_space<hbm>>
      %dma_start3A_299 = arith.constant 0 : i32
      %dma_start3A_300 = tpu.memref_slice %arg13[%mul3A_293, %dma_start3A_299] : memref<4096x64xf32, #tpu.memory_space<vmem_shared>> -> memref<512x64xf32, #tpu.memory_space<vmem_shared>>
      tpu.enqueue_dma source(%dma_start3A_300 : memref<512x64xf32, #tpu.memory_space<vmem_shared>>) target(%dma_start3A_298 : memref<512x64xf32, #tpu.memory_space<hbm>>) target_semaphore(%arg19 : memref<!tpu.dma_semaphore, #tpu.memory_space<semaphore_mem>>)
      %scan3A_301 = arith.constant 0 : i32
      scf.yield %scan3A_301 : i32
    }
    %scan3A_126 = arith.constant 32 : i32
    %add3A_127 = arith.constant 31744 : i32
    %add3A_128 = arith.addi %mul3A_2, %add3A_127 : i32
    %dma_wait3A_129 = arith.constant 0 : i32
    %dma_wait3A_130 = tpu.memref_slice %arg6[%add3A_128, %dma_wait3A_129] : memref<1048576x128xf32, #tpu.memory_space<hbm>> -> memref<512x64xf32, #tpu.memory_space<hbm>>
    %dma_wait3A_131 = arith.constant 0 : i32
    %dma_wait3A_132 = tpu.memref_slice %arg6[%add3A_128, %dma_wait3A_131] : memref<1048576x128xf32, #tpu.memory_space<hbm>> -> memref<512x64xf32, #tpu.memory_space<hbm>>
    tpu.wait_dma2 semaphore(%arg17 : memref<!tpu.dma_semaphore, #tpu.memory_space<semaphore_mem>>) src(%arg8 : memref<512x64xf32, #tpu.memory_space<vmem>>) dst(%dma_wait3A_132 : memref<512x64xf32, #tpu.memory_space<hbm>>)
    %add3A_133 = arith.constant 32256 : i32
    %add3A_134 = arith.addi %mul3A_2, %add3A_133 : i32
    %dma_wait3A_135 = arith.constant 0 : i32
    %dma_wait3A_136 = tpu.memref_slice %arg6[%add3A_134, %dma_wait3A_135] : memref<1048576x128xf32, #tpu.memory_space<hbm>> -> memref<512x64xf32, #tpu.memory_space<hbm>>
    %dma_wait3A_137 = arith.constant 0 : i32
    %dma_wait3A_138 = tpu.memref_slice %arg6[%add3A_134, %dma_wait3A_137] : memref<1048576x128xf32, #tpu.memory_space<hbm>> -> memref<512x64xf32, #tpu.memory_space<hbm>>
    tpu.wait_dma2 semaphore(%arg18 : memref<!tpu.dma_semaphore, #tpu.memory_space<semaphore_mem>>) src(%arg9 : memref<512x64xf32, #tpu.memory_space<vmem>>) dst(%dma_wait3A_138 : memref<512x64xf32, #tpu.memory_space<hbm>>)
    %add3A_139 = arith.constant 31744 : i32
    %add3A_140 = arith.addi %mul3A_2, %add3A_139 : i32
    %dma_wait3A_141 = arith.constant 64 : i32
    %dma_wait3A_142 = tpu.memref_slice %arg6[%add3A_140, %dma_wait3A_141] : memref<1048576x128xf32, #tpu.memory_space<hbm>> -> memref<512x64xf32, #tpu.memory_space<hbm>>
    %dma_wait3A_143 = arith.constant 3072 : i32
    %dma_wait3A_144 = arith.constant 0 : i32
    %dma_wait3A_145 = tpu.memref_slice %arg13[%dma_wait3A_143, %dma_wait3A_144] : memref<4096x64xf32, #tpu.memory_space<vmem_shared>> -> memref<512x64xf32, #tpu.memory_space<vmem_shared>>
    tpu.wait_dma2 semaphore(%arg19 : memref<!tpu.dma_semaphore, #tpu.memory_space<semaphore_mem>>) src(%dma_wait3A_145 : memref<512x64xf32, #tpu.memory_space<vmem_shared>>) dst(%dma_wait3A_142 : memref<512x64xf32, #tpu.memory_space<hbm>>)
    %add3A_146 = arith.constant 32256 : i32
    %add3A_147 = arith.addi %mul3A_2, %add3A_146 : i32
    %dma_wait3A_148 = arith.constant 64 : i32
    %dma_wait3A_149 = tpu.memref_slice %arg6[%add3A_147, %dma_wait3A_148] : memref<1048576x128xf32, #tpu.memory_space<hbm>> -> memref<512x64xf32, #tpu.memory_space<hbm>>
    %dma_wait3A_150 = arith.constant 3584 : i32
    %dma_wait3A_151 = arith.constant 0 : i32
    %dma_wait3A_152 = tpu.memref_slice %arg13[%dma_wait3A_150, %dma_wait3A_151] : memref<4096x64xf32, #tpu.memory_space<vmem_shared>> -> memref<512x64xf32, #tpu.memory_space<vmem_shared>>
    tpu.wait_dma2 semaphore(%arg19 : memref<!tpu.dma_semaphore, #tpu.memory_space<semaphore_mem>>) src(%dma_wait3A_152 : memref<512x64xf32, #tpu.memory_space<vmem_shared>>) dst(%dma_wait3A_149 : memref<512x64xf32, #tpu.memory_space<hbm>>)
    return
  }
}

</mosaic_0001>

<sc_bundles>
// kernel: kernel.3.cloned.1.call-start
scs
__scs_entry_jumppad:
0x0: {  	(pc) =	sbr.rel $0x88, $3  }
0x1: {  	(tag) =	ssettag $0x0;
	lr =	simm.s32 $0x1  }
0x2: {  	[smem:$0x3F9D] =	sst lr;
	_ =	strace $0xD0000000  }
0x3: {  	_ = 	snop  }
0x4: {  	_ = 	snop  }
0x5: {  	_ = 	snop  }
0x6: {  	_ = 	snop  }
0x7: {  	_ = 	snop  }
__scs_overlays_trampoline_lowered:
0x8: {  	[smem:$0x3FAC] =	sst s0  }
0x9: {  	[smem:$0x3FAD] =	sst s1  }
0xa: {  	[smem:$0x3FAE] =	sst s2  }
0xb: {  	[smem:$0x3FAF] =	sst s3  }
0xc: {  	[smem:$0x3FB0] =	sst s4  }
0xd: {  	[smem:$0x3FB1] =	sst s5  }
0xe: {  	[smem:$0x3FB2] =	sst s6  }
0xf: {  	[smem:$0x3FB3] =	sst s7  }
0x10: {  	[smem:$0x3FB4] =	sst s8  }
0x11: {  	[smem:$0x3FB5] =	sst s9;
	s0 =	simm.s32 @!p0 $0x0  }
0x12: {  	s1 =	sld [smem:$0x3F9B];
	s0 =	simm.s32 @p0 $0x1  }
0x13: {  	[smem:$0x3FB6] =	sst s0;
	s0 =	simm.s32 @!p1 $0x0  }
0x14: {  	s2 =	sld [smem:$0x3F9A];
	s0 =	simm.s32 @p1 $0x1  }
0x15: {  	[smem:$0x3FB7] =	sst s0;
	s0 =	simm.s32 @!p2 $0x0  }
0x16: {  	s3 =	sld [smem:$0x3FDB];
	s0 =	simm.s32 @p2 $0x1  }
0x17: {  	s4 =	simm.s32 $0x1BF5;
	[smem:$0x3FB9] =	sst s0  }
0x18: {  	s0 =	sld [smem:$0x3F9C];
	_ =	swait.ge [sflag:s4], $0x0  }
0x19: {  	s7 =	sld [smem:$0x3F9D]  }
0x1a: {  	s8 =	sadd.s32 $0xFFFFE003, lr  }
0x1b: {  	s9 =	sadd.s32 $0xFFFFFEF7, lr;
	s5 =	simm.s32 $0xFFFFFFFF;
	p2 =	slt.u32 s8, $0xFFFFF086  }
0x1c: {  	p1 =	slt.u32 s9, $0xF7A;
	s5 =	simm.s32 @!p2 $0x0  }
0x1d: {  	s5 =	simm.s32 @p1 $0x1;
	p0 =	seq.s32 s7, s2  }
0x1e: {  	s7 =	smul.u32 @!p0 $0xF7A, s2;
	p2 =	seq.s32 @!p0 s5, $0x0  }
0x1f: {  	s9 =	smul.u32 $0xF7A, s1;
	s8 =	simm.s32 @!p0 $0x1BF5;
	p2 =	por !p2, p0  }
0x20: {  	[sflag:s8] =	ssyncset.s32 @!p0 $0xFFFFF086;
	s6 =	sadd.s32 @!p0 s3, s7;
	s7 =	simm.s32 @!p0 $0x108  }
0x21: {  	s3 =	sadd.s32 s3, s9;
	s6 =	sadd.s32 @!p0 $0x88, s6;
	s7 =	simm.s32 @p2 $0x1082  }
0x22: {  	[simem:s7], [sflag:s8] =	dma.local @!p0 [hbm:s6], $0xF7A  }
0x23: {  	s9 =	sor.u32 $0xD0000000, s2;
	s6 =	simm.s32 $0x108;
	_ =	swait.ge @!p0 [sflag:s8], $0x0  }
0x24: {  	s3 =	sadd.s32 $0x88, s3;
	s6 =	simm.s32 @!p1 $0x1082;
	[sflag:s4] =	ssyncset.s32 $0xFFFFF086  }
0x25: {  	[simem:s6], [sflag:s4] =	dma.local [hbm:s3], $0xF7A  }
0x26: {  	[smem:$0x3F9D] =	sst s1;
	(tag) =	ssettag s2;
	_ =	strace s9  }
0x27: {  	s1 =	sld [smem:$0x3FAD]  }
0x28: {  	s2 =	sld [smem:$0x3FAE]  }
0x29: {  	s4 =	sld [smem:$0x3FB0]  }
0x2a: {  	p0 =	seq.s32 s5, $0x0;
	s5 =	sld [smem:$0x3FB1]  }
0x2b: {  	s6 =	sld [smem:$0x3FB2]  }
0x2c: {  	s7 =	sld [smem:$0x3FB3]  }
0x2d: {  	s3 =	simm.s32 $0x108;
	s8 =	sld [smem:$0x3FB4]  }
0x2e: {  	s3 =	simm.s32 @!p0 $0x1082;
	s9 =	sld [smem:$0x3FB5]  }
0x2f: {  	lr =	sadd.s32 s0, s3;
	s0 =	sld [smem:$0x3FAC]  }
0x30: {  	s3 =	sld [smem:$0x3FAF]  }
0x31: {  	[smem:$0x3FB8] =	sst s10  }
0x32: {  	s10 =	sld [smem:$0x3FB6];
	_ =	sdelay $0x3  }
0x33: {  	p0 =	seq.s32 s10, $0x1;
	s10 =	sld [smem:$0x3FB8];
	_ =	sdelay $0x3  }
0x34: {  	[smem:$0x3FB8] =	sst s10  }
0x35: {  	s10 =	sld [smem:$0x3FB7];
	_ =	sdelay $0x3  }
0x36: {  	p1 =	seq.s32 s10, $0x1;
	s10 =	sld [smem:$0x3FB8];
	_ =	sdelay $0x3  }
0x37: {  	[smem:$0x3FB8] =	sst s10  }
0x38: {  	s10 =	sld [smem:$0x3FB9]  }
0x39: {  	_ = 	snop;
	(pc) =	sbr.ind lr, $3  }
0x3a: {  	_ = 	snop  }
0x3b: {  	_ = 	snop  }
0x3c: {  	p2 =	seq.s32 s10, $0x1;
	s10 =	sld [smem:$0x3FB8]  }
0x3d: {  	_ =	shalt  }
0x3e: {  	_ =	shalt  }
0x3f: {  	_ =	shalt  }
0x40: {  	_ =	shalt  }
0x41: {  	_ =	shalt  }
0x42: {  	_ =	shalt  }
0x43: {  	_ =	shalt  }
0x44: {  	_ =	shalt  }
0x45: {  	_ =	shalt  }
0x46: {  	_ =	shalt  }
0x47: {  	_ =	shalt  }
0x48: {  	_ =	shalt  }
0x49: {  	_ =	shalt  }
0x4a: {  	_ =	shalt  }
0x4b: {  	_ =	shalt  }
0x4c: {  	_ =	shalt  }
0x4d: {  	_ =	shalt  }
0x4e: {  	_ =	shalt  }
0x4f: {  	_ =	shalt  }
0x50: {  	_ =	shalt  }
0x51: {  	_ =	shalt  }
0x52: {  	_ =	shalt  }
0x53: {  	_ =	shalt  }
0x54: {  	_ =	shalt  }
0x55: {  	_ =	shalt  }
0x56: {  	_ =	shalt  }
0x57: {  	_ =	shalt  }
0x58: {  	_ =	shalt  }
0x59: {  	_ =	shalt  }
0x5a: {  	_ =	shalt  }
0x5b: {  	_ =	shalt  }
0x5c: {  	_ =	shalt  }
0x5d: {  	_ =	shalt  }
0x5e: {  	_ =	shalt  }
0x5f: {  	_ =	shalt  }
0x60: {  	_ =	shalt  }
0x61: {  	_ =	shalt  }
0x62: {  	_ =	shalt  }
0x63: {  	_ =	shalt  }
0x64: {  	_ =	shalt  }
0x65: {  	_ =	shalt  }
0x66: {  	_ =	shalt  }
0x67: {  	_ =	shalt  }
0x68: {  	_ =	shalt  }
0x69: {  	_ =	shalt  }
0x6a: {  	_ =	shalt  }
0x6b: {  	_ =	shalt  }
0x6c: {  	_ =	shalt  }
0x6d: {  	_ =	shalt  }
0x6e: {  	_ =	shalt  }
0x6f: {  	_ =	shalt  }
0x70: {  	_ =	shalt  }
0x71: {  	_ =	shalt  }
0x72: {  	_ =	shalt  }
0x73: {  	_ =	shalt  }
0x74: {  	_ =	shalt  }
0x75: {  	_ =	shalt  }
0x76: {  	_ =	shalt  }
0x77: {  	_ =	shalt  }
0x78: {  	_ =	shalt  }
0x79: {  	_ =	shalt  }
0x7a: {  	_ =	shalt  }
0x7b: {  	_ =	shalt  }
0x7c: {  	_ =	shalt  }
0x7d: {  	_ =	shalt  }
0x7e: {  	_ =	shalt  }
0x7f: {  	_ =	shalt  }
0x80: {  	_ =	shalt  }
0x81: {  	_ =	shalt  }
0x82: {  	_ =	shalt  }
0x83: {  	_ =	shalt  }
0x84: {  	_ =	shalt  }
0x85: {  	_ =	shalt  }
0x86: {  	_ =	shalt  }
0x87: {  	_ =	shalt  }
.Lfunc_end0:
.L_simem_size_0:
called_computation_lowered:
.L_overlay_start_0:
0x88: {  	s2 =	sld [smem:$0x3FD9]  }
0x89: {  	s3 =	sld [smem:$0x3FFE];
	_ =	sdelay $0x1  }
0x8a: {  	s1 =	srdreg.scid  }
0x8b: {  	s0 =	sand.u32 $0x1, s1  }
0x8c: {  	s17 =	sshll.u32 s0, $0xA;
	s2 =	sadd.s32 s3, s2  }
0x8d: {  	s2 =	sadd.s32 s2, s17  }
0x8e: {  	[smem:$0x3FC4] =	sst s2  }
0x8f: {  	_ = 	snop  }
0x90: {  	s2 =	sld [smem:$0x3FD0];
	(tm) =	ssettm $0x1  }
0x91: {  	s18 =	sld [smem:$0x3FFB];
	_ =	sdelay $0x3  }
0x92: {  	_ =	strace s18  }
0x93: {  	s3 =	sld [smem:$0x3FFC];
	_ =	sdelay $0x3  }
0x94: {  	_ =	strace s3  }
0x95: {  	s3 =	sld [smem:$0x3FFD];
	_ =	sdelay $0x3  }
0x96: {  	_ =	strace s3  }
0x97: {  	_ =	strace $0x8FFFFFFF  }
0x98: {  	s19 =	sld [smem:$0x3FDB];
	_ =	sdelay $0x1  }
0x99: {  	s4 =	simm.s32 $_scs_section_size  }
0x9a: {  	s5 =	simm.s32 $_size__tile_overlayer_lowered;
	s6 =	simm.s32 $_tile_overlayer_lowered  }
0x9b: {  	s22 =	simm.s32 $0x1BFF;
	s21 =	sshll.u32 s6, $0x1;
	s3 =	sadd.s32 s4, s19  }
0x9c: {  	s7 =	simm.s32 $0x0;
	s20 =	sshll.u32 s5, $0x1;
	s5 =	sadd.s32 s21, s3  }
0x9d: {  	[timem:s7], [sflag:s22] =	dma.local [hbm:s5], s20  }
0x9e: {  	_ =	swait.ge [sflag:s22], s20  }
0x9f: {  	s4 =	ssub.s32 $0x0, s20;
	[sflag:s22] =	ssyncset.done $0x0  }
0xa0: {  	[sflag:s22] =	ssyncadd.s32 s4;
	_ =	sdelay $0x1  }
0xa1: {  	s23 =	simm.s32 $0x1B8B  }
0xa2: {  	_ =	swait.ge [sflag:s23], $0x1  }
0xa3: {  	[sflag:s23] =	ssyncset.done $0x0  }
0xa4: {  	s25 =	simm.s32 $0x1B8E;
	s24 =	sld [smem:$0x3FFE];
	[sflag:s23] =	ssyncadd.s32 $0xFFFFFFFF  }
0xa5: {  	s26 =	simm.s32 $execute0_lowered;
	[smem:$0x3FD2] =	sst s25  }
0xa6: {  	s5 =	sshll.u32 s26, $0x1;
	_ =	strace $0x80000046;
	[dreg:$0x1] =	wrdreg $0xFFFFFFFF  }
0xa7: {  	s28 =	simm.s32 $_size_execute0_lowered;
	s3 =	sadd.s32 s3, s5;
	[dreg:$0x0] =	wrdreg $0x0  }
0xa8: {  	s5 =	sshll.u32 s28, $0x1;
	[dreg:$0x2] =	wrdreg s3  }
0xa9: {  	[dreg:$0x3] =	wrdreg s5  }
0xaa: {  	[dreg:$0x4] =	wrdreg $0xC0  }
0xab: {  	_ =	task [dreg:s7], $0x5FFFF  }
0xac: {  	[dreg:$0x1] =	wrdreg $0xFFFFFFFF  }
0xad: {  	[dreg:$0x0] =	wrdreg $0x60  }
0xae: {  	[dreg:$0x2] =	wrdreg s24  }
0xaf: {  	[dreg:$0x3] =	wrdreg s2  }
0xb0: {  	[dreg:$0x4] =	wrdreg $0x1E0000  }
0xb1: {  	[dreg:$0x5] =	wrdreg $0x1A0000  }
0xb2: {  	[dreg:$0x6] =	wrdreg $0x9  }
0xb3: {  	_ =	task.clear_ibuf [dreg:s7], $0x7FFFF;
	_ =	strace $0x90000046  }
0xb4: {  	s29 =	simm.s32 $0x9;
	_ =	strace $0x80000048  }
0xb5: {  	_ =	swait.ge [sflag:s29], $0x1  }
0xb6: {  	[sflag:s29] =	ssyncadd.s32 $0xFFFFFFFF  }
0xb7: {  	_ =	strace $0x90000048  }
0xb8: {  	_ =	sfence  }
0xb9: {  	s30 =	sld [smem:$0x0];
	_ =	sdelay $0x2  }
0xba: {  	s31 =	sshll.u32 s1, $0xD;
	s1 =	sshrl.u32 s1, $0x2  }
0xbb: {  	s3 =	sand.u32 $0x4000, s31;
	s1 =	sadd.s32 s1, s30  }
0xbc: {  	s0 =	sor.u32 s3, s0;
	s1 =	sshll.u32 s1, $0x11  }
0xbd: {  	s0 =	sor.u32 s1, s0  }
0xbe: {  	s0 =	sadd.s32 $0x8F2B, s0  }
0xbf: {  	[sflag:s0] =	ssyncadd.remote.s32 $0x1  }
0xc0: {  	_ =	sfence.sel $0xFFFF  }
0xc1: {  	[dreg:$0x0] =	wrdreg $0xFFFFFFFF;
	(pc) =	sbr.abs _section_cstart, $3  }
0xc2: {  	[dreg:$0x1] =	wrdreg $0xFFFFFFFF  }
0xc3: {  	_ =	task.clear_ibuf [dreg:s7], $0x2FFFF;
	_ =	strace $0x9FFFFFFF  }
0xc4: {  	(tm) =	ssettm $0x7FFFFFFF  }
0xc5: {  	_ =	shalt  }
tec
execute0_lowered:
.L_overlay_start_1:
0x0: {  	(tag) =	ssettag $0x1  }
0x1: {  	s1 =	rddreg [dreg:$0x0]  }
0x2: {  	s2 =	rddreg [dreg:$0x1];
	s3 =	srdreg.scid  }
0x3: {  	s0 =	rddreg [dreg:$0x2];
	s12 =	stileid.u32;
	s7 =	simm.s32 $0x0  }
0x4: {  	s29 =	simm.s32 $0xE000;
	s4 =	sand.u32 $0x1, s3;
	s3 =	rddreg [dreg:$0x3]  }
0x5: {  	s28 =	simm.s32 $0x4;
	s5 =	sshll.u32 s12, $0x10;
	[smem:$0x7FF] =	sst s7  }
0x6: {  	s8 =	sadd.s32 $0x800, s1;
	s17 =	sadd.s32 $0x400, s1;
	s9 =	sshll.u32 s12, $0x2  }
0x7: {  	s24 =	sadd.s32 $0x8, s2;
	s15 =	sshll.u32 s12, $0x17;
	p0 =	sne.s32 s12, $0x0  }
0x8: {  	s31 =	sshll.u32 s12, $0x7;
	_ =	strace $0x80000047;
	[dreg:$0x5] =	wrdreg s8  }
0x9: {  	s6 =	sshll.u32 s4, $0xF;
	[dreg:$0x6] =	wrdreg s17;
	s18 =	ssub.s32 $0x2, s4  }
0xa: {  	s20 =	sor.u32 $0x1, s9;
	s22 =	sor.u32 $0x2, s9;
	s4 =	sshll.u32 s4, $0x16  }
0xb: {  	s8 =	simm.s32 $0x7;
	s6 =	sor.u32 s6, s5;
	s19 =	sshrl.u32 s18, $0x1  }
0xc: {  	s5 =	sshrl.u32 s5, $0x2;
	s21 =	sshll.u32 s20, $0xC;
	s10 =	sshll.u32 s20, $0x5  }
0xd: {  	s23 =	sshll.u32 s22, $0xC;
	s4 =	sor.u32 s4, s15;
	s22 =	sshll.u32 s22, $0x5  }
0xe: {  	s15 =	simm.s32 $0x40;
	s16 =	sshrl.u32 s6, $0x3;
	s5 =	sadd.s32 s5, s3  }
0xf: {  	s6 =	sshll.u32 s6, $0x4;
	s7 =	sadd.s32 s16, s1;
	s1 =	sadd.s32 $0x600, s1  }
0x10: {  	[dreg:$0x9] =	wrdreg s5;
	s5 =	sadd.s32 s21, s3;
	s25 =	sadd.s32 s2, s6  }
0x11: {  	s26 =	sadd.s32 s6, s24;
	s30 =	sor.u32 $0x2000, s6;
	[dreg:$0x7] =	wrdreg s1  }
0x12: {  	s13 =	sor.u32 $0x7C000, s6;
	s6 =	sor.u32 $0x7E000, s6;
	[dreg:$0xa] =	wrdreg s5  }
0x13: {  	s16 =	sor.u32 $0x20000, s4;
	s4 =	sor.u32 $0x30000, s4;
	[dreg:$0xb] =	wrdreg s25  }
0x14: {  	s1 =	ssub.s32 s18, s19;
	s7 =	sadd.s32 $0x2800, s7;
	[dreg:$0xc] =	wrdreg s26  }
0x15: {  	s11 =	sadd.s32 s2, s30;
	s9 =	sadd.s32 s30, s24;
	s14 =	sadd.s32 s2, s13  }
0x16: {  	s2 =	sadd.s32 s2, s6;
	s6 =	sadd.s32 s6, s24;
	[dreg:$0x8] =	wrdreg s7  }
0x17: {  	s4 =	sshrl.u32 s4, $0x3;
	s18 =	sshllo.u32 s12, $0x2;
	[dreg:$0xd] =	wrdreg s11  }
0x18: {  	s19 =	sadd.s32 s23, s3;
	s23 =	sadd.s32 $0x8000, s3;
	[dreg:$0xe] =	wrdreg s9  }
0x19: {  	s25 =	sadd.s32 $0x30000, s3;
	s30 =	sadd.s32 $0x38000, s3;
	[dreg:$0xf] =	wrdreg s14  }
0x1a: {  	s12 =	simm.s32 $0x10000;
	s9 =	sadd.s32 s13, s24;
	[dreg:$0x11] =	wrdreg s2  }
0x1b: {  	[dreg:$0x12] =	wrdreg s6;
	s2 =	sshrl.u32 s16, $0x3;
	s17 =	sadd.s32 s4, s24  }
0x1c: {  	[dreg:$0x15] =	wrdreg s19;
	s20 =	sshll.u32 s18, $0xC;
	s1 =	smax.u32 s1, $0x1  }
0x1d: {  	s26 =	sshrl.u32 s25, $0x3;
	s6 =	simm.s32 $0x80;
	s7 =	simm.s32 $0x8000  }
0x1e: {  	s11 =	simm.s32 $0x12000;
	s13 =	simm.s32 $0x14000;
	s14 =	simm.s32 $0x16000  }
0x1f: {  	s16 =	simm.s32 $0x1;
	s19 =	simm.s32 $0x3;
	[dreg:$0x10] =	wrdreg s9  }
0x20: {  	s25 =	simm.s32 $0x5;
	s2 =	sadd.s32 s2, s24;
	[dreg:$0x14] =	wrdreg s17  }
0x21: {  	s24 =	sshll.u32 s18, $0x5;
	s21 =	sadd.s32 s20, s3;
	[dreg:$0x17] =	wrdreg s1  }
0x22: {  	s1 =	sshrl.u32 s23, $0x3;
	[dreg:$0x19] =	wrdreg s26;
	s20 =	simm.s32 $0x19000  }
0x23: {  	s9 =	simm.s32 $0xC000;
	s17 =	simm.s32 $0x10;
	[dreg:$0x13] =	wrdreg s2  }
0x24: {  	s18 =	simm.s32 $0x8;
	s26 =	simm.s32 $0x3;
	[dreg:$0x16] =	wrdreg s21  }
0x25: {  	s23 =	simm.s32 $0x8;
	[dreg:$0x18] =	wrdreg s1;
	s1 =	sshrl.u32 s30, $0x3  }
0x26: {  	s21 =	simm.s32 $0xA000;
	s2 =	simm.s32 $0x0;
	[dreg:$0x1a] =	wrdreg s1  }
.LBB2_1:
0x27: {  	[dreg:$0x1b] =	wrdreg s2  }
0x28: {  	s4 =	simm.s32 $0x0;
	s1 =	rddreg [dreg:$0x8]  }
0x29: {  	[tilespmem:s4], [sflag:$0x6] =	stream.linear.gather [hbm4b:s1+s4], $0x8000, $0x38;
	[tilespmem:$0x1F000] =	vst v63  }
0x2a: {  	s2 =	simm.s32 @!p0 $0x1C07;
	s5 =	rddreg [dreg:$0x5];
	s1 =	sshrl.u32 @!p0 s0, $0x3  }
0x2b: {  	[spmem:s1], [sflag:s2] =	dma.local @!p0 [hbm:s5], $0x2000  }
0x2c: {  	s1 =	simm.s32 @!p0 $0x7  }
0x2d: {  	_ =	swait.ge @!p0 [sflag:s1], $0x2000  }
0x2e: {  	[sflag:s1] =	ssyncset.done @!p0 $0x0  }
0x2f: {  	s30 =	simm.s32 $0x18000;
	s5 =	rddreg [dreg:$0x6];
	[sflag:s1] =	ssyncadd.s32 @!p0 $0xFFFFE000  }
0x30: {  	[tilespmem:s30], [sflag:$0x7] =	stream.linear.gather [hbm4b:s5+s4], $0x800, $0x38;
	[tilespmem:$0x1F000] =	vst v63  }
0x31: {  	_ =	swait.ge [sflag:s8], $0x800  }
0x32: {  	[sflag:s8] =	ssyncset.done $0x0  }
0x33: {  	s5 =	simm.s32 $0x18800;
	s2 =	rddreg [dreg:$0x7];
	[sflag:s8] =	ssyncadd.s32 $0xFFFFF800  }
0x34: {  	[tilespmem:s5], [sflag:$0x7] =	stream.linear.gather [hbm4b:s2+s4], $0x800, $0x38;
	[tilespmem:$0x1F000] =	vst v63  }
0x35: {  	_ =	swait.ge [sflag:s8], $0x800  }
0x36: {  	[sflag:s8] =	ssyncset.done $0x0  }
0x37: {  	[sflag:s8] =	ssyncadd.s32 $0xFFFFF800  }
0x38: {  	v0 =	vld [tilespmem:s31+$0x18000];
	_ =	sdelay $0x3  }
0x39: {  	s2 =	simm.s32 $0x19020  }
0x3a: {  	[tilespmem:s2+$0xFFFFFFE0] =	vst v0  }
0x3b: {  	v0 =	vld [tilespmem:s31+$0x18010];
	_ =	sdelay $0x4  }
0x3c: {  	s30 =	simm.s32 $0x0;
	[tilespmem:s2+$0xFFFFFFF0] =	vst v0  }
0x3d: {  	v0 =	vld [tilespmem:s30+$0x18800];
	_ =	sdelay $0x4  }
0x3e: {  	[tilespmem:s2+$0x0] =	vst v0  }
0x3f: {  	v0 =	vld [tilespmem:s30+$0x18810];
	_ =	sdelay $0x4  }
0x40: {  	[tilespmem:s2+$0x10] =	vst v0  }
0x41: {  	s4 =	simm.s32 $0x80;
	s5 =	simm.s32 $0x100;
	v0 =	vld [tilespmem:s31+$0x18000]  }
.LBB2_2:
0x42: {  	p1 =	sne.s32 s5, $0x1F80;
	_ =	sdelay $0x2  }
0x43: {  	s2 =	sadd.s32 $0x40, s2  }
0x44: {  	[tilespmem:s2+$0xFFFFFFE0] =	vst v0  }
0x45: {  	v0 =	vld [tilespmem:s31+$0x18010];
	_ =	sdelay $0x4  }
0x46: {  	s1 =	sshra.s32 s4, $0x2;
	s4 =	smov.u32 s5;
	[tilespmem:s2+$0xFFFFFFF0] =	vst v0  }
0x47: {  	v0 =	vld [tilespmem:s1+$0x18800];
	_ =	sdelay $0x4  }
0x48: {  	[tilespmem:s2+$0x0] =	vst v0  }
0x49: {  	v0 =	vld [tilespmem:s1+$0x18810];
	_ =	sdelay $0x1  }
.Ltmp0:
0x4a: {  	(pc) =	sbr.rel @p1 .LBB2_2-.Ltmp0, $3  }
0x4b: {  	_ =	sdelay $0x1  }
0x4c: {  	[tilespmem:s2+$0x10] =	vst v0  }
0x4d: {  	s5 =	sadd.s32 $0x80, s5;
	v0 =	vld [tilespmem:s31+$0x18000]  }
0x4e: {  	_ =	sdelay $0x2  }
0x4f: {  	s1 =	sadd.s32 $0x40, s2  }
0x50: {  	[tilespmem:s1+$0xFFFFFFE0] =	vst v0  }
0x51: {  	v0 =	vld [tilespmem:s31+$0x18010];
	_ =	sdelay $0x4  }
0x52: {  	s4 =	sshra.s32 s4, $0x2;
	[tilespmem:s1+$0xFFFFFFF0] =	vst v0  }
0x53: {  	v0 =	vld [tilespmem:s4+$0x18800];
	_ =	sdelay $0x4  }
0x54: {  	[tilespmem:s1+$0x0] =	vst v0  }
0x55: {  	v0 =	vld [tilespmem:s4+$0x18810];
	_ =	sdelay $0x4  }
0x56: {  	s5 =	rddreg [dreg:$0x9];
	[tilespmem:s1+$0x10] =	vst v0  }
0x57: {  	[spmem:s5] =	stream.linear.scatter [tilespmem:s20], [sflag:$0x7], $0x1000, $0x38;
	[tilespmem:$0x1F000] =	vst v63  }
0x58: {  	_ =	swait.ge [sflag:s8], $0x1000  }
0x59: {  	[sflag:s8] =	ssyncset.done $0x0  }
0x5a: {  	[sflag:s8] =	ssyncadd.s32 $0xFFFFF000  }
0x5b: {  	v0 =	vld [tilespmem:s10+$0x18000];
	_ =	sdelay $0x3  }
0x5c: {  	s2 =	simm.s32 $0x19020  }
0x5d: {  	[tilespmem:s2+$0xFFFFFFE0] =	vst v0  }
0x5e: {  	v0 =	vld [tilespmem:s10+$0x18010];
	_ =	sdelay $0x4  }
0x5f: {  	s30 =	simm.s32 $0x0;
	[tilespmem:s2+$0xFFFFFFF0] =	vst v0  }
0x60: {  	v0 =	vld [tilespmem:s30+$0x18800];
	_ =	sdelay $0x4  }
0x61: {  	[tilespmem:s2+$0x0] =	vst v0  }
0x62: {  	v0 =	vld [tilespmem:s30+$0x18810];
	_ =	sdelay $0x4  }
0x63: {  	[tilespmem:s2+$0x10] =	vst v0  }
0x64: {  	s4 =	simm.s32 $0x80;
	s5 =	simm.s32 $0x100;
	v0 =	vld [tilespmem:s10+$0x18000]  }
.LBB2_4:
0x65: {  	p1 =	sne.s32 s5, $0x1F80;
	_ =	sdelay $0x2  }
0x66: {  	s2 =	sadd.s32 $0x40, s2  }
0x67: {  	[tilespmem:s2+$0xFFFFFFE0] =	vst v0  }
0x68: {  	v0 =	vld [tilespmem:s10+$0x18010];
	_ =	sdelay $0x4  }
0x69: {  	s1 =	sshra.s32 s4, $0x2;
	s4 =	smov.u32 s5;
	[tilespmem:s2+$0xFFFFFFF0] =	vst v0  }
0x6a: {  	v0 =	vld [tilespmem:s1+$0x18800];
	_ =	sdelay $0x4  }
0x6b: {  	[tilespmem:s2+$0x0] =	vst v0  }
0x6c: {  	v0 =	vld [tilespmem:s1+$0x18810];
	_ =	sdelay $0x1  }
.Ltmp1:
0x6d: {  	(pc) =	sbr.rel @p1 .LBB2_4-.Ltmp1, $3  }
0x6e: {  	_ =	sdelay $0x1  }
0x6f: {  	[tilespmem:s2+$0x10] =	vst v0  }
0x70: {  	s5 =	sadd.s32 $0x80, s5;
	v0 =	vld [tilespmem:s10+$0x18000]  }
0x71: {  	_ =	sdelay $0x2  }
0x72: {  	s1 =	sadd.s32 $0x40, s2  }
0x73: {  	[tilespmem:s1+$0xFFFFFFE0] =	vst v0  }
0x74: {  	v0 =	vld [tilespmem:s10+$0x18010];
	_ =	sdelay $0x4  }
0x75: {  	s4 =	sshra.s32 s4, $0x2;
	[tilespmem:s1+$0xFFFFFFF0] =	vst v0  }
0x76: {  	v0 =	vld [tilespmem:s4+$0x18800];
	_ =	sdelay $0x4  }
0x77: {  	[tilespmem:s1+$0x0] =	vst v0  }
0x78: {  	v0 =	vld [tilespmem:s4+$0x18810];
	_ =	sdelay $0x4  }
0x79: {  	s5 =	rddreg [dreg:$0xa];
	[tilespmem:s1+$0x10] =	vst v0  }
0x7a: {  	[spmem:s5] =	stream.linear.scatter [tilespmem:s20], [sflag:$0x7], $0x1000, $0x38;
	[tilespmem:$0x1F000] =	vst v63  }
0x7b: {  	_ =	swait.ge [sflag:s8], $0x1000  }
0x7c: {  	[sflag:s8] =	ssyncset.done $0x0  }
0x7d: {  	[sflag:s8] =	ssyncadd.s32 $0xFFFFF000  }
0x7e: {  	v0 =	vld [tilespmem:s22+$0x18000];
	_ =	sdelay $0x3  }
0x7f: {  	s2 =	simm.s32 $0x19020  }
0x80: {  	[tilespmem:s2+$0xFFFFFFE0] =	vst v0  }
0x81: {  	v0 =	vld [tilespmem:s22+$0x18010];
	_ =	sdelay $0x4  }
0x82: {  	s30 =	simm.s32 $0x0;
	[tilespmem:s2+$0xFFFFFFF0] =	vst v0  }
0x83: {  	v0 =	vld [tilespmem:s30+$0x18800];
	_ =	sdelay $0x4  }
0x84: {  	[tilespmem:s2+$0x0] =	vst v0  }
0x85: {  	v0 =	vld [tilespmem:s30+$0x18810];
	_ =	sdelay $0x4  }
0x86: {  	[tilespmem:s2+$0x10] =	vst v0  }
0x87: {  	s4 =	simm.s32 $0x80;
	s5 =	simm.s32 $0x100;
	v0 =	vld [tilespmem:s22+$0x18000]  }
.LBB2_6:
0x88: {  	p1 =	sne.s32 s5, $0x1F80;
	_ =	sdelay $0x2  }
0x89: {  	s2 =	sadd.s32 $0x40, s2  }
0x8a: {  	[tilespmem:s2+$0xFFFFFFE0] =	vst v0  }
0x8b: {  	v0 =	vld [tilespmem:s22+$0x18010];
	_ =	sdelay $0x4  }
0x8c: {  	s1 =	sshra.s32 s4, $0x2;
	s4 =	smov.u32 s5;
	[tilespmem:s2+$0xFFFFFFF0] =	vst v0  }
0x8d: {  	v0 =	vld [tilespmem:s1+$0x18800];
	_ =	sdelay $0x4  }
0x8e: {  	[tilespmem:s2+$0x0] =	vst v0  }
0x8f: {  	v0 =	vld [tilespmem:s1+$0x18810];
	_ =	sdelay $0x1  }
.Ltmp2:
0x90: {  	(pc) =	sbr.rel @p1 .LBB2_6-.Ltmp2, $3  }
0x91: {  	_ =	sdelay $0x1  }
0x92: {  	[tilespmem:s2+$0x10] =	vst v0  }
0x93: {  	s5 =	sadd.s32 $0x80, s5;
	v0 =	vld [tilespmem:s22+$0x18000]  }
0x94: {  	_ =	sdelay $0x2  }
0x95: {  	s1 =	sadd.s32 $0x40, s2  }
0x96: {  	[tilespmem:s1+$0xFFFFFFE0] =	vst v0  }
0x97: {  	v0 =	vld [tilespmem:s22+$0x18010];
	_ =	sdelay $0x4  }
0x98: {  	s4 =	sshra.s32 s4, $0x2;
	[tilespmem:s1+$0xFFFFFFF0] =	vst v0  }
0x99: {  	v0 =	vld [tilespmem:s4+$0x18800];
	_ =	sdelay $0x4  }
0x9a: {  	[tilespmem:s1+$0x0] =	vst v0  }
0x9b: {  	v0 =	vld [tilespmem:s4+$0x18810];
	_ =	sdelay $0x4  }
0x9c: {  	s5 =	rddreg [dreg:$0x15];
	[tilespmem:s1+$0x10] =	vst v0  }
0x9d: {  	[spmem:s5] =	stream.linear.scatter [tilespmem:s20], [sflag:$0x7], $0x1000, $0x38;
	[tilespmem:$0x1F000] =	vst v63  }
0x9e: {  	_ =	swait.ge [sflag:s8], $0x1000  }
0x9f: {  	[sflag:s8] =	ssyncset.done $0x0  }
0xa0: {  	[sflag:s8] =	ssyncadd.s32 $0xFFFFF000  }
0xa1: {  	v0 =	vld [tilespmem:s24+$0x18000];
	_ =	sdelay $0x3  }
0xa2: {  	s2 =	simm.s32 $0x19020  }
0xa3: {  	[tilespmem:s2+$0xFFFFFFE0] =	vst v0  }
0xa4: {  	v0 =	vld [tilespmem:s24+$0x18010];
	_ =	sdelay $0x4  }
0xa5: {  	s30 =	simm.s32 $0x0;
	[tilespmem:s2+$0xFFFFFFF0] =	vst v0  }
0xa6: {  	v0 =	vld [tilespmem:s30+$0x18800];
	_ =	sdelay $0x4  }
0xa7: {  	[tilespmem:s2+$0x0] =	vst v0  }
0xa8: {  	v0 =	vld [tilespmem:s30+$0x18810];
	_ =	sdelay $0x4  }
0xa9: {  	[tilespmem:s2+$0x10] =	vst v0  }
0xaa: {  	s4 =	simm.s32 $0x80;
	s5 =	simm.s32 $0x100;
	v0 =	vld [tilespmem:s24+$0x18000]  }
.LBB2_8:
0xab: {  	p1 =	sne.s32 s5, $0x1F80;
	_ =	sdelay $0x2  }
0xac: {  	s2 =	sadd.s32 $0x40, s2  }
0xad: {  	[tilespmem:s2+$0xFFFFFFE0] =	vst v0  }
0xae: {  	v0 =	vld [tilespmem:s24+$0x18010];
	_ =	sdelay $0x4  }
0xaf: {  	s1 =	sshra.s32 s4, $0x2;
	s4 =	smov.u32 s5;
	[tilespmem:s2+$0xFFFFFFF0] =	vst v0  }
0xb0: {  	v0 =	vld [tilespmem:s1+$0x18800];
	_ =	sdelay $0x4  }
0xb1: {  	[tilespmem:s2+$0x0] =	vst v0  }
0xb2: {  	v0 =	vld [tilespmem:s1+$0x18810];
	_ =	sdelay $0x1  }
.Ltmp3:
0xb3: {  	(pc) =	sbr.rel @p1 .LBB2_8-.Ltmp3, $3  }
0xb4: {  	_ =	sdelay $0x1  }
0xb5: {  	[tilespmem:s2+$0x10] =	vst v0  }
0xb6: {  	s5 =	sadd.s32 $0x80, s5;
	v0 =	vld [tilespmem:s24+$0x18000]  }
0xb7: {  	_ =	sdelay $0x2  }
0xb8: {  	s1 =	sadd.s32 $0x40, s2  }
0xb9: {  	[tilespmem:s1+$0xFFFFFFE0] =	vst v0  }
0xba: {  	v0 =	vld [tilespmem:s24+$0x18010];
	_ =	sdelay $0x4  }
0xbb: {  	s4 =	sshra.s32 s4, $0x2;
	[tilespmem:s1+$0xFFFFFFF0] =	vst v0  }
0xbc: {  	v0 =	vld [tilespmem:s4+$0x18800];
	_ =	sdelay $0x4  }
0xbd: {  	[tilespmem:s1+$0x0] =	vst v0  }
0xbe: {  	v0 =	vld [tilespmem:s4+$0x18810];
	_ =	sdelay $0x4  }
0xbf: {  	s5 =	rddreg [dreg:$0x16];
	[tilespmem:s1+$0x10] =	vst v0  }
0xc0: {  	[spmem:s5] =	stream.linear.scatter [tilespmem:s20], [sflag:$0x7], $0x1000, $0x38;
	[tilespmem:$0x1F000] =	vst v63  }
0xc1: {  	_ =	swait.ge [sflag:s8], $0x1000  }
0xc2: {  	[sflag:s8] =	ssyncset.done $0x0  }
0xc3: {  	[sflag:s8] =	ssyncadd.s32 $0xFFFFF000  }
0xc4: {  	s2 =	simm.s32 $0x6;
	[bflag:$0x0] =	sbarrier.arrive $0xFFFF  }
0xc5: {  	_ =	swait.ge [sflag:s2], $0x8000  }
0xc6: {  	[sflag:s2] =	ssyncset.done $0x0  }
0xc7: {  	s4 =	simm.s32 $0x0;
	[sflag:s2] =	ssyncadd.s32 $0xFFFF8000  }
0xc8: {  	[tilespmem:s7], [sflag:$0x1] =	stream.indirect.gather [spmem:s0], $0x40, s4, s6, $0xb8;
	[tilespmem:$0x1F000] =	vst v63  }
0xc9: {  	_ = 	snop  }
0xca: {  	[tilespmem:s21], [sflag:$0x1] =	stream.indirect.gather [spmem:s0], $0x40, s6, s6, $0xb8;
	[tilespmem:$0x1F000] =	vst v63  }
0xcb: {  	s5 =	simm.s32 $0x100  }
0xcc: {  	[tilespmem:s9], [sflag:$0x1] =	stream.indirect.gather [spmem:s0], $0x40, s5, s6, $0xb8;
	[tilespmem:$0x1F000] =	vst v63  }
0xcd: {  	s8 =	simm.s32 $0x180  }
0xce: {  	[tilespmem:s29], [sflag:$0x1] =	stream.indirect.gather [spmem:s0], $0x40, s8, s6, $0xb8;
	[tilespmem:$0x1F000] =	vst v63  }
0xcf: {  	s20 =	simm.s32 $0x200  }
0xd0: {  	[tilespmem:s12], [sflag:$0x2] =	stream.indirect.gather [spmem:s0], $0x40, s20, s6, $0xb8;
	[tilespmem:$0x1F000] =	vst v63  }
0xd1: {  	s2 =	simm.s32 $0x280  }
0xd2: {  	[tilespmem:s11], [sflag:$0x2] =	stream.indirect.gather [spmem:s0], $0x40, s2, s6, $0xb8;
	[tilespmem:$0x1F000] =	vst v63  }
0xd3: {  	s4 =	simm.s32 $0x300  }
0xd4: {  	[tilespmem:s13], [sflag:$0x2] =	stream.indirect.gather [spmem:s0], $0x40, s4, s6, $0xb8;
	[tilespmem:$0x1F000] =	vst v63  }
0xd5: {  	s5 =	simm.s32 $0x380;
	s20 =	stileid.u32  }
0xd6: {  	[tilespmem:s14], [sflag:$0x2] =	stream.indirect.gather [spmem:s0], $0x40, s5, s6, $0xb8;
	[tilespmem:$0x1F000] =	vst v63  }
0xd7: {  	s1 =	sshll.u32 s20, $0x6;
	_ =	swait.ge [sflag:s16], $0x8000  }
0xd8: {  	s30 =	sor.u32 $0x1C05, s1;
	[sflag:s16] =	ssyncset.done $0x0;
	s8 =	rddreg [dreg:$0xb]  }
0xd9: {  	s2 =	sshrl.u32 s3, $0x3;
	s4 =	rddreg [dreg:$0xc];
	[sflag:s16] =	ssyncadd.s32 $0xFFFF8000  }
0xda: {  	[hbm4b:s8+s15] =	stream.strided.scatter [tilespmem:s7], [sflag:$0x3], $0x8000, s6, s15, $0x38;
	[tilespmem:$0x1F000] =	vst v63  }
0xdb: {  	[hbm:s4@s17], [sflag:s30] =	dma.strided [spmem:s2@s18], $0x1000, s16, $0x8   }
0xdc: {  	_ =	swait.ge [sflag:s19], $0x8000  }
0xdd: {  	[sflag:s19] =	ssyncset.done $0x0  }
0xde: {  	[sflag:s19] =	ssyncadd.s32 $0xFFFF8000  }
0xdf: {  	_ =	swait.ge [sflag:s25], $0x1000  }
0xe0: {  	[sflag:s25] =	ssyncset.done $0x0  }
0xe1: {  	s5 =	simm.s32 $0x400;
	[sflag:s25] =	ssyncadd.s32 $0xFFFFF000  }
0xe2: {  	[tilespmem:s7], [sflag:$0x1] =	stream.indirect.gather [spmem:s0], $0x40, s5, s6, $0xb8;
	[tilespmem:$0x1F000] =	vst v63  }
0xe3: {  	s8 =	simm.s32 $0x480  }
0xe4: {  	[tilespmem:s21], [sflag:$0x1] =	stream.indirect.gather [spmem:s0], $0x40, s8, s6, $0xb8;
	[tilespmem:$0x1F000] =	vst v63  }
0xe5: {  	s20 =	simm.s32 $0x500  }
0xe6: {  	[tilespmem:s9], [sflag:$0x1] =	stream.indirect.gather [spmem:s0], $0x40, s20, s6, $0xb8;
	[tilespmem:$0x1F000] =	vst v63  }
0xe7: {  	s2 =	simm.s32 $0x580;
	s20 =	simm.s32 $0x2  }
0xe8: {  	[tilespmem:s29], [sflag:$0x1] =	stream.indirect.gather [spmem:s0], $0x40, s2, s6, $0xb8;
	[tilespmem:$0x1F000] =	vst v63  }
0xe9: {  	_ =	swait.ge [sflag:s20], $0x8000  }
0xea: {  	s4 =	rddreg [dreg:$0xd]  }
0xeb: {  	[sflag:s20] =	ssyncset.done $0x0;
	s5 =	rddreg [dreg:$0xe]  }
0xec: {  	s8 =	rddreg [dreg:$0x18];
	[sflag:s20] =	ssyncadd.s32 $0xFFFF8000  }
0xed: {  	[hbm4b:s4+s15] =	stream.strided.scatter [tilespmem:s12], [sflag:$0x4], $0x8000, s6, s15, $0x38;
	[tilespmem:$0x1F000] =	vst v63  }
0xee: {  	[hbm:s5@s17], [sflag:s30] =	dma.strided [spmem:s8@s18], $0x1000, s16, $0x8   }
0xef: {  	_ =	swait.ge [sflag:s28], $0x8000  }
0xf0: {  	[sflag:s28] =	ssyncset.done $0x0  }
0xf1: {  	[sflag:s28] =	ssyncadd.s32 $0xFFFF8000  }
0xf2: {  	_ =	swait.ge [sflag:s25], $0x1000  }
0xf3: {  	[sflag:s25] =	ssyncset.done $0x0  }
0xf4: {  	s2 =	simm.s32 $0x600;
	[sflag:s25] =	ssyncadd.s32 $0xFFFFF000  }
0xf5: {  	[tilespmem:s12], [sflag:$0x2] =	stream.indirect.gather [spmem:s0], $0x40, s2, s6, $0xb8;
	[tilespmem:$0x1F000] =	vst v63  }
0xf6: {  	s4 =	simm.s32 $0x680  }
0xf7: {  	[tilespmem:s11], [sflag:$0x2] =	stream.indirect.gather [spmem:s0], $0x40, s4, s6, $0xb8;
	[tilespmem:$0x1F000] =	vst v63  }
0xf8: {  	s5 =	simm.s32 $0x700  }
0xf9: {  	[tilespmem:s13], [sflag:$0x2] =	stream.indirect.gather [spmem:s0], $0x40, s5, s6, $0xb8;
	[tilespmem:$0x1F000] =	vst v63  }
0xfa: {  	s8 =	simm.s32 $0x780;
	s11 =	simm.s32 $0x10000  }
0xfb: {  	[tilespmem:s14], [sflag:$0x2] =	stream.indirect.gather [spmem:s0], $0x40, s8, s6, $0xb8;
	[tilespmem:$0x1F000] =	vst v63  }
0xfc: {  	s1 =	sand.u32 $0x30000, s11;
	_ =	swait.ge [sflag:s16], $0x8000  }
0xfd: {  	s1 =	sadd.s32 s1, s3;
	[sflag:s16] =	ssyncset.done $0x0;
	s8 =	rddreg [dreg:$0x13]  }
0xfe: {  	s1 =	sshrl.u32 s1, $0x3;
	[sflag:s16] =	ssyncadd.s32 $0xFFFF8000;
	s12 =	sadd.s32 $0xFFFFFFF8, s8  }
0xff: {  	[hbm4b:s12+s15] =	stream.strided.scatter [tilespmem:s7], [sflag:$0x3], $0x8000, s6, s15, $0x38;
	[tilespmem:$0x1F000] =	vst v63  }
0x100: {  	[hbm:s8@s17], [sflag:s30] =	dma.strided [spmem:s1@s18], $0x1000, s16, $0x8   }
0x101: {  	_ =	swait.ge [sflag:s19], $0x8000  }
0x102: {  	s4 =	simm.s32 $0x1000;
	s11 =	simm.s32 $0xC000;
	[sflag:s19] =	ssyncset.done $0x0  }
0x103: {  	s13 =	simm.s32 $0x800;
	s14 =	simm.s32 $0x880;
	[sflag:s19] =	ssyncadd.s32 $0xFFFF8000  }
0x104: {  	s2 =	sadd.s32 $0x4000, s8;
	s15 =	simm.s32 $0x18000;
	_ =	swait.ge [sflag:s25], $0x1000  }
0x105: {  	s12 =	simm.s32 $0x8000;
	s1 =	sand.u32 $0x38000, s15;
	[sflag:s25] =	ssyncset.done $0x0  }
0x106: {  	s17 =	simm.s32 $0x900;
	s1 =	sadd.s32 s1, s3;
	[sflag:s25] =	ssyncadd.s32 $0xFFFFF000  }
0x107: {  	[tilespmem:s7], [sflag:$0x1] =	stream.indirect.gather [spmem:s0], $0x40, s13, s6, $0xb8;
	[tilespmem:$0x1F000] =	vst v63  }
0x108: {  	s18 =	simm.s32 $0x980;
	s15 =	simm.s32 $0x14000;
	s1 =	sshrl.u32 s1, $0x3  }
0x109: {  	[tilespmem:s21], [sflag:$0x1] =	stream.indirect.gather [spmem:s0], $0x40, s14, s6, $0xb8;
	[tilespmem:$0x1F000] =	vst v63  }
0x10a: {  	s19 =	simm.s32 $0x10;
	s7 =	simm.s32 $0x16000;
	s21 =	rddreg [dreg:$0x14]  }
0x10b: {  	[tilespmem:s9], [sflag:$0x1] =	stream.indirect.gather [spmem:s0], $0x40, s17, s6, $0xb8;
	[tilespmem:$0x1F000] =	vst v63  }
0x10c: {  	s13 =	simm.s32 $0xE000;
	s14 =	simm.s32 $0x12000;
	s5 =	sadd.s32 $0x4000, s21  }
0x10d: {  	[tilespmem:s29], [sflag:$0x1] =	stream.indirect.gather [spmem:s0], $0x40, s18, s6, $0xb8;
	[tilespmem:$0x1F000] =	vst v63  }
0x10e: {  	s17 =	simm.s32 $0x10000;
	_ =	swait.ge [sflag:s20], $0x8000;
	s20 =	simm.s32 $0x2  }
0x10f: {  	s9 =	simm.s32 $0xA000;
	s18 =	simm.s32 $0x40;
	[sflag:s20] =	ssyncset.done $0x0  }
0x110: {  	s29 =	sadd.s32 $0xFFFFFFF8, s21;
	[sflag:s20] =	ssyncadd.s32 $0xFFFF8000;
	s20 =	simm.s32 $0x28000  }
.LBB2_10:
0x111: {  	[hbm4b:s29+s18] =	stream.strided.scatter [tilespmem:s17], [sflag:$0x4], $0x8000, s6, s18, $0x38;
	[tilespmem:$0x1F000] =	vst v63  }
0x112: {  	s29 =	smov.u32 s4  }
0x113: {  	[hbm:s21@s19], [sflag:s30] =	dma.strided [spmem:s1@s23], $0x1000, s16, $0x8   }
0x114: {  	p1 =	sne.s32 s4, $0x1D000;
	s4 =	sadd.s32 $0x1000, s4;
	_ =	swait.ge [sflag:s28], $0x8000  }
0x115: {  	s21 =	smov.u32 s5;
	[sflag:s28] =	ssyncset.done $0x0  }
0x116: {  	[sflag:s28] =	ssyncadd.s32 $0xFFFF8000  }
0x117: {  	_ =	swait.ge [sflag:s25], $0x1000  }
0x118: {  	s1 =	sshra.s32 s29, $0x2;
	[sflag:s25] =	ssyncset.done $0x0  }
0x119: {  	s29 =	sadd.s32 $0x600, s1;
	[sflag:s25] =	ssyncadd.s32 $0xFFFFF000  }
0x11a: {  	[tilespmem:s17], [sflag:$0x2] =	stream.indirect.gather [spmem:s0], $0x40, s29, s6, $0xb8;
	[tilespmem:$0x1F000] =	vst v63  }
0x11b: {  	s29 =	sadd.s32 $0x680, s1  }
0x11c: {  	[tilespmem:s14], [sflag:$0x2] =	stream.indirect.gather [spmem:s0], $0x40, s29, s6, $0xb8;
	[tilespmem:$0x1F000] =	vst v63  }
0x11d: {  	s29 =	sadd.s32 $0x700, s1  }
0x11e: {  	[tilespmem:s15], [sflag:$0x2] =	stream.indirect.gather [spmem:s0], $0x40, s29, s6, $0xb8;
	[tilespmem:$0x1F000] =	vst v63  }
0x11f: {  	s29 =	sadd.s32 $0x780, s1  }
0x120: {  	[tilespmem:s7], [sflag:$0x2] =	stream.indirect.gather [spmem:s0], $0x40, s29, s6, $0xb8;
	[tilespmem:$0x1F000] =	vst v63  }
0x121: {  	s29 =	sadd.s32 $0xFFFF8000, s20;
	_ =	swait.ge [sflag:s16], $0x8000  }
0x122: {  	s29 =	sand.u32 $0x30000, s29;
	[sflag:s16] =	ssyncset.done $0x0  }
0x123: {  	s8 =	sadd.s32 $0xFFFFFFF8, s2;
	s29 =	sadd.s32 s29, s3;
	[sflag:s16] =	ssyncadd.s32 $0xFFFF8000  }
0x124: {  	[hbm4b:s8+s18] =	stream.strided.scatter [tilespmem:s12], [sflag:$0x3], $0x8000, s6, s18, $0x38;
	[tilespmem:$0x1F000] =	vst v63  }
0x125: {  	s8 =	sshrl.u32 s29, $0x3  }
0x126: {  	[hbm:s2@s19], [sflag:s30] =	dma.strided [spmem:s8@s23], $0x1000, s16, $0x8   }
0x127: {  	_ =	swait.ge [sflag:s26], $0x8000  }
0x128: {  	[sflag:s26] =	ssyncset.done $0x0  }
0x129: {  	[sflag:s26] =	ssyncadd.s32 $0xFFFF8000  }
0x12a: {  	_ =	swait.ge [sflag:s25], $0x1000  }
0x12b: {  	s8 =	sadd.s32 $0x800, s1;
	[sflag:s25] =	ssyncset.done $0x0  }
0x12c: {  	s29 =	sadd.s32 $0x880, s1;
	[sflag:s25] =	ssyncadd.s32 $0xFFFFF000  }
0x12d: {  	[tilespmem:s12], [sflag:$0x1] =	stream.indirect.gather [spmem:s0], $0x40, s8, s6, $0xb8;
	[tilespmem:$0x1F000] =	vst v63  }
0x12e: {  	s8 =	sadd.s32 $0x900, s1  }
0x12f: {  	[tilespmem:s9], [sflag:$0x1] =	stream.indirect.gather [spmem:s0], $0x40, s29, s6, $0xb8;
	[tilespmem:$0x1F000] =	vst v63  }
0x130: {  	s1 =	sadd.s32 $0x980, s1  }
0x131: {  	[tilespmem:s11], [sflag:$0x1] =	stream.indirect.gather [spmem:s0], $0x40, s8, s6, $0xb8;
	[tilespmem:$0x1F000] =	vst v63  }
0x132: {  	s8 =	simm.s32 $0x2  }
.Ltmp4:
0x133: {  	s5 =	sadd.s32 $0x4000, s5;
	(pc) =	sbr.rel @p1 .LBB2_10-.Ltmp4, $4  }
0x134: {  	[tilespmem:s13], [sflag:$0x1] =	stream.indirect.gather [spmem:s0], $0x40, s1, s6, $0xb8;
	[tilespmem:$0x1F000] =	vst v63  }
0x135: {  	s2 =	sadd.s32 $0x4000, s2;
	s1 =	sand.u32 $0x38000, s20;
	_ =	swait.ge [sflag:s8], $0x8000  }
0x136: {  	s29 =	sadd.s32 $0xFFFFFFF8, s21;
	s1 =	sadd.s32 s1, s3;
	[sflag:s8] =	ssyncset.done $0x0  }
0x137: {  	s20 =	sadd.s32 $0x10000, s20;
	s1 =	sshrl.u32 s1, $0x3;
	[sflag:s8] =	ssyncadd.s32 $0xFFFF8000  }
0x138: {  	[hbm4b:s29+s18] =	stream.strided.scatter [tilespmem:s17], [sflag:$0x4], $0x8000, s6, s18, $0x38;
	[tilespmem:$0x1F000] =	vst v63  }
0x139: {  	[hbm:s21@s19], [sflag:s30] =	dma.strided [spmem:s1@s23], $0x1000, s16, $0x8   }
0x13a: {  	_ =	swait.ge [sflag:s28], $0x8000  }
0x13b: {  	[sflag:s28] =	ssyncset.done $0x0  }
0x13c: {  	[sflag:s28] =	ssyncadd.s32 $0xFFFF8000  }
0x13d: {  	_ =	swait.ge [sflag:s25], $0x1000  }
0x13e: {  	[sflag:s25] =	ssyncset.done $0x0  }
0x13f: {  	s4 =	simm.s32 $0x7E00;
	[sflag:s25] =	ssyncadd.s32 $0xFFFFF000  }
0x140: {  	[tilespmem:s17], [sflag:$0x2] =	stream.indirect.gather [spmem:s0], $0x40, s4, s6, $0xb8;
	[tilespmem:$0x1F000] =	vst v63  }
0x141: {  	s5 =	simm.s32 $0x7E80  }
0x142: {  	[tilespmem:s14], [sflag:$0x2] =	stream.indirect.gather [spmem:s0], $0x40, s5, s6, $0xb8;
	[tilespmem:$0x1F000] =	vst v63  }
0x143: {  	s9 =	simm.s32 $0x7F00  }
0x144: {  	[tilespmem:s15], [sflag:$0x2] =	stream.indirect.gather [spmem:s0], $0x40, s9, s6, $0xb8;
	[tilespmem:$0x1F000] =	vst v63  }
0x145: {  	s11 =	simm.s32 $0x7F80  }
0x146: {  	[tilespmem:s7], [sflag:$0x2] =	stream.indirect.gather [spmem:s0], $0x40, s11, s6, $0xb8;
	[tilespmem:$0x1F000] =	vst v63  }
0x147: {  	_ =	swait.ge [sflag:s16], $0x8000  }
0x148: {  	s13 =	rddreg [dreg:$0xf]  }
0x149: {  	[sflag:s16] =	ssyncset.done $0x0;
	s14 =	rddreg [dreg:$0x10]  }
0x14a: {  	s2 =	rddreg [dreg:$0x19];
	[sflag:s16] =	ssyncadd.s32 $0xFFFF8000  }
0x14b: {  	[hbm4b:s13+s18] =	stream.strided.scatter [tilespmem:s12], [sflag:$0x3], $0x8000, s6, s18, $0x38;
	[tilespmem:$0x1F000] =	vst v63  }
0x14c: {  	[hbm:s14@s19], [sflag:s30] =	dma.strided [spmem:s2@s23], $0x1000, s16, $0x8   }
0x14d: {  	_ =	swait.ge [sflag:s8], $0x8000  }
0x14e: {  	[sflag:s8] =	ssyncset.done $0x0;
	s15 =	rddreg [dreg:$0x11]  }
0x14f: {  	s20 =	rddreg [dreg:$0x1a];
	[sflag:s8] =	ssyncadd.s32 $0xFFFF8000  }
0x150: {  	[hbm4b:s15+s18] =	stream.strided.scatter [tilespmem:s17], [sflag:$0x4], $0x8000, s6, s18, $0x38;
	[tilespmem:$0x1F000] =	vst v63  }
0x151: {  	s18 =	rddreg [dreg:$0x12]  }
0x152: {  	[hbm:s18@s19], [sflag:s30] =	dma.strided [spmem:s20@s23], $0x1000, s16, $0x8   }
0x153: {  	_ =	swait.ge [sflag:s26], $0x8000  }
0x154: {  	[sflag:s26] =	ssyncset.done $0x0  }
0x155: {  	[sflag:s26] =	ssyncadd.s32 $0xFFFF8000  }
0x156: {  	_ =	swait.ge [sflag:s28], $0x8000  }
0x157: {  	[sflag:s28] =	ssyncset.done $0x0  }
0x158: {  	[sflag:s28] =	ssyncadd.s32 $0xFFFF8000  }
0x159: {  	_ =	swait.ge [sflag:s25], $0x1000  }
0x15a: {  	[sflag:s25] =	ssyncset.done $0x0  }
0x15b: {  	[sflag:s25] =	ssyncadd.s32 $0xFFFFF000  }
0x15c: {  	_ =	swait.ge [sflag:s25], $0x1000  }
0x15d: {  	s21 =	rddreg [dreg:$0x1b]  }
0x15e: {  	s30 =	rddreg [dreg:$0x17];
	s2 =	sadd.s32 $0x1, s21  }
0x15f: {  	s29 =	simm.s32 $0xE000;
	s9 =	simm.s32 $0xC000;
	p1 =	sne.s32 s2, s30  }
.Ltmp5:
0x160: {  	s11 =	simm.s32 $0x12000;
	s7 =	simm.s32 $0x8000;
	(pc) =	sbr.rel @p1 .LBB2_1-.Ltmp5, $4  }
0x161: {  	s13 =	simm.s32 $0x14000;
	s12 =	simm.s32 $0x10000;
	s14 =	simm.s32 $0x16000  }
0x162: {  	s8 =	simm.s32 $0x7;
	s15 =	simm.s32 $0x40;
	s17 =	simm.s32 $0x10  }
0x163: {  	s20 =	simm.s32 $0x19000;
	s18 =	simm.s32 $0x8;
	[sflag:s25] =	ssyncset.done $0x0  }
0x164: {  	s19 =	simm.s32 $0x3;
	[sflag:s25] =	ssyncadd.s32 $0xFFFFF000;
	s21 =	simm.s32 $0xA000  }
0x165: {  	_ =	sfence.sel $0x180000  }
0x166: {  	[bflag:$0x0] =	sbarrier.arrive $0xFFFF  }
0x167: {  	_ =	strace $0x90000047  }
0x168: {  	[bflag:$0x2] =	sbarrier.arrive $0xFFFF  }
0x169: {  	s0 =	rddreg [dreg:$0x4]  }
0x16a: {  	s0 =	sadd.s32 @!p0 $0x100000, s0  }
0x16b: {  	[sflag:s0] =	ssyncadd.tile.s32 @!p0 $0x1;
	_ =	shalt  }
.Lfunc_end2:
_tile_overlayer_lowered:
.L_overlay_start_2:
0x16c: {  	(tag) =	ssettag $0x2  }
0x16d: {  	s0 =	rddreg [dreg:$0x0];
	s2 =	stileid.u32  }
0x16e: {  	s1 =	rddreg [dreg:$0x1];
	p0 =	sne.s32 s2, $0x0  }
0x16f: {  	s3 =	rddreg [dreg:$0x2];
	[bflag:$0x3] =	sbarrier.arrive $0xFFFF;
	s2 =	simm.s32 @!p0 $0x1C07  }
0x170: {  	[timem:s3], [sflag:s2] =	dma.local @!p0 [hbm:s0], s1  }
0x171: {  	s0 =	simm.s32 @!p0 $0x7  }
0x172: {  	_ =	swait.ge @!p0 [sflag:s0], s1  }
0x173: {  	s1 =	ssub.s32 @!p0 $0x0, s1;
	[sflag:s0] =	ssyncset.done @!p0 $0x0  }
0x174: {  	[sflag:s0] =	ssyncadd.s32 @!p0 s1  }
0x175: {  	[bflag:$0x3] =	sbarrier.arrive $0xFFFF  }
0x176: {  	_ =	shalt  }

</sc_bundles>
